<compile_context>
chip_gen: v7x
topology: tpu7x:2x2x1
jax: 0.10.2.dev20260603
libtpu: 0.0.44.dev20260713+nightly
codegen_flags: <defaults>
</compile_context>

<pallas_src>
import jax
import jax.numpy as jnp
from jax import lax
from jax.experimental import pallas as pl
from jax.experimental.pallas import tpu as pltpu
from jax.experimental.pallas import tpu_sc as plsc

_EPS = 1e-09
_N = 10000
_E = 320000
_D = 128
_DH = _D // 2

_NC = 2
_NS = 16
_EPT = _E // _NS
_CHUNK = 80
_NCHUNKS = -(-_EPT // _CHUNK)
_EPAD = _NCHUNKS * _CHUNK
_APAD = _N + 16
_RPT = _N // _NS
_NBUF = 8
_G = 7


def _segsum_body(y_hbm, src_hbm, dst_hbm, zero_hbm, p_hbm,
                 src_v, dst_v, rows, acc, gsem, ssem):
    c = lax.axis_index("c")
    s = lax.axis_index("s")
    pltpu.sync_copy(src_hbm.at[s], src_v)
    pltpu.sync_copy(dst_hbm.at[s], dst_v)
    pltpu.sync_copy(zero_hbm.at[pl.ds(s * _RPT, _RPT)],
                    acc.at[pl.ds(s * _RPT, _RPT)])
    plsc.subcore_barrier()

    def step(j, carry):
        p = lax.rem(j, _NBUF)
        pq = lax.rem(j + _NBUF - _G, _NBUF)

        @pl.when(j < _NCHUNKS)
        def _():
            @pl.when(j >= _NBUF)
            def _():
                pltpu.make_async_copy(rows.at[p], acc.at[dst_v.at[0]],
                                      ssem.at[p]).wait()

            pltpu.async_copy(y_hbm.at[c].at[src_v.at[j]], rows.at[p],
                             gsem.at[p])

        @pl.when(j >= _G)
        def _():
            pltpu.make_async_copy(y_hbm.at[c].at[src_v.at[0]], rows.at[pq],
                                  gsem.at[pq]).wait()
            pltpu.async_copy(rows.at[pq], acc.at[dst_v.at[j - _G]],
                             ssem.at[pq], add=True)

        return carry

    lax.fori_loop(0, _NCHUNKS + _G, step, 0)

    def drain(k, carry):
        p = lax.rem(k, _NBUF)
        pltpu.make_async_copy(rows.at[p], acc.at[dst_v.at[0]],
                              ssem.at[p]).wait()
        return carry

    lax.fori_loop(_NCHUNKS - _NBUF, _NCHUNKS, drain, 0)
    plsc.subcore_barrier()
    pltpu.sync_copy(acc.at[pl.ds(s * _RPT, _RPT)],
                    p_hbm.at[c, pl.ds(s * _RPT, _RPT)])


def _segsum(y_stk, src_c, dst_c, zeros):
    mesh = plsc.VectorSubcoreMesh(core_axis_name="c", subcore_axis_name="s")
    return pl.kernel(
        _segsum_body,
        out_type=jax.ShapeDtypeStruct((_NC, _N, _DH), jnp.float32),
        mesh=mesh,
        compiler_params=pltpu.CompilerParams(use_tc_tiling_on_sc=False),
        scratch_types=[
            pltpu.VMEM((_NCHUNKS, _CHUNK), jnp.int32),
            pltpu.VMEM((_NCHUNKS, _CHUNK), jnp.int32),
            pltpu.VMEM((_NBUF, _CHUNK, _DH), jnp.float32),
            pltpu.VMEM_SHARED((_APAD, _DH), jnp.float32),
            pltpu.SemaphoreType.DMA((_NBUF,)),
            pltpu.SemaphoreType.DMA((_NBUF,)),
        ],
    )(y_stk, src_c, dst_c, zeros)


_BLK = 1000


def _mm_body(x_ref, w_ref, o_ref):
    r = jnp.dot(x_ref[...], w_ref[...], preferred_element_type=jnp.float32)
    o_ref[0] = r[:, :_DH]
    o_ref[1] = r[:, _DH:]


def _matmul(x, w):
    return pl.pallas_call(
        _mm_body,
        grid=(_N // _BLK,),
        in_specs=[pl.BlockSpec((_BLK, _D), lambda i: (i, 0)),
                  pl.BlockSpec((_D, _D), lambda i: (0, 0))],
        out_specs=pl.BlockSpec((_NC, _BLK, _DH), lambda i: (0, i, 0)),
        out_shape=jax.ShapeDtypeStruct((_NC, _N, _DH), jnp.float32),
    )(x, w)


def _fused_body(y_ref, p_ref, b_ref, w_ref, o_ref):
    y = jnp.concatenate([y_ref[0], y_ref[1]], axis=-1)
    a = jnp.concatenate([p_ref[0], p_ref[1]], axis=-1)
    h = (1.0 + _EPS) * y + a + b_ref[...]
    h = jnp.maximum(h, 0.0)
    r = jnp.dot(h, w_ref[...], preferred_element_type=jnp.float32)
    o_ref[0] = r[:, :_DH]
    o_ref[1] = r[:, _DH:]


def _fused_mm(y, p, b, w):
    return pl.pallas_call(
        _fused_body,
        grid=(_N // _BLK,),
        in_specs=[pl.BlockSpec((_NC, _BLK, _DH), lambda i: (0, i, 0)),
                  pl.BlockSpec((_NC, _BLK, _DH), lambda i: (0, i, 0)),
                  pl.BlockSpec((1, _D), lambda i: (0, 0)),
                  pl.BlockSpec((_D, _D), lambda i: (0, 0))],
        out_specs=pl.BlockSpec((_NC, _BLK, _DH), lambda i: (0, i, 0)),
        out_shape=jax.ShapeDtypeStruct((_NC, _N, _DH), jnp.float32),
    )(y, p, b, w)


def _combine_body(y_ref, p_ref, b_ref, o_ref):
    y = jnp.concatenate([y_ref[0], y_ref[1]], axis=-1)
    a = jnp.concatenate([p_ref[0], p_ref[1]], axis=-1)
    o_ref[...] = (1.0 + _EPS) * y + a + b_ref[...]


def _combine(y, p, b):
    return pl.pallas_call(
        _combine_body,
        grid=(_N // _BLK,),
        in_specs=[pl.BlockSpec((_NC, _BLK, _DH), lambda i: (0, i, 0)),
                  pl.BlockSpec((_NC, _BLK, _DH), lambda i: (0, i, 0)),
                  pl.BlockSpec((1, _D), lambda i: (0, 0))],
        out_specs=pl.BlockSpec((_BLK, _D), lambda i: (i, 0)),
        out_shape=jax.ShapeDtypeStruct((_N, _D), jnp.float32),
    )(y, p, b)


def kernel(x, edge_index, W1, b1, W2, b2):
    pad = _EPAD - _EPT
    src = jnp.pad(edge_index[0].astype(jnp.int32).reshape(_NS, _EPT),
                  ((0, 0), (0, pad))).reshape(_NS, _NCHUNKS, _CHUNK)
    dst = jnp.pad(edge_index[1].astype(jnp.int32).reshape(_NS, _EPT),
                  ((0, 0), (0, pad)),
                  constant_values=_N).reshape(_NS, _NCHUNKS, _CHUNK)
    zeros = jnp.zeros((_N, _DH), jnp.float32)
    b1r = b1.reshape(1, _D)
    b2r = b2.reshape(1, _D)

    y1 = _matmul(x, W1)
    p1 = _segsum(y1, src, dst, zeros)
    y2 = _fused_mm(y1, p1, b1r, W2)
    p2 = _segsum(y2, src, dst, zeros)
    return _combine(y2, p2, b2r)

# --- scband reference (transcript-rebuilt; emitter-appended) ---
"""Pipeline reference for scband-gin-27212912787986 (READ-ONLY COPY).

The authoritative reference and input builder live on the scoring server;
editing this copy changes nothing except your own understanding.
"""

import jax, jax.numpy as jnp
import numpy as np

EPS = 1e-09
N_NODES = 10000
N_EDGES = 320000
D_IN = 128
D_HID = 128
D_OUT = 128


def setup_inputs(seed: int = 0) -> dict:
    key = jax.random.key(seed)
    k_x, k_e, k_w1, k_b1, k_w2, k_b2 = jax.random.split(key, 6)
    x = jax.random.normal(k_x, (N_NODES, D_IN), dtype=jnp.float32)
    edge_index = jax.random.randint(k_e, (2, N_EDGES), 0, N_NODES, dtype=jnp.int64)
    # Linear layers (PyTorch Linear: y = x @ W^T + b); store W as [in, out] for jnp matmul
    lim1 = 1.0 / np.sqrt(D_IN)
    W1 = jax.random.uniform(k_w1, (D_IN, D_HID), dtype=jnp.float32, minval=-lim1, maxval=lim1)
    b1 = jax.random.uniform(k_b1, (D_HID,), dtype=jnp.float32, minval=-lim1, maxval=lim1)
    lim2 = 1.0 / np.sqrt(D_HID)
    W2 = jax.random.uniform(k_w2, (D_HID, D_OUT), dtype=jnp.float32, minval=-lim2, maxval=lim2)
    b2 = jax.random.uniform(k_b2, (D_OUT,), dtype=jnp.float32, minval=-lim2, maxval=lim2)
    return {"x": x, "edge_index": edge_index, "W1": W1, "b1": b1, "W2": W2, "b2": b2}


def _gin_conv(x, edge_index, W, b, eps):
    # GINConv: out = nn((1 + eps) * x + sum_{j in N(i)} x_j)
    src = edge_index[0]
    dst = edge_index[1]
    msgs = jnp.take(x, src, axis=0)                      # gather: [E, d]
    agg = jax.ops.segment_sum(msgs, dst, num_segments=x.shape[0])  # scatter-add: [N, d]
    h = (1.0 + eps) * x + agg
    return h @ W + b


def reference(x, edge_index, W1, b1, W2, b2):
    h = _gin_conv(x, edge_index, W1, b1, EPS)
    h = jax.nn.relu(h)
    # F.dropout in eval mode (deterministic reference) -> identity
    out = _gin_conv(h, edge_index, W2, b2, EPS)
    return out

if __name__ == "__main__":
    import jax
    _d = setup_inputs()
    print(jax.jit(kernel)(*tuple(_d.values())))

</pallas_src>

<mosaic_0001>
#map = affine_map<(d0, d1) -> (0, 0, 0)>
#map1 = affine_map<(d0, d1) -> (0, 0)>
module attributes {stable_mosaic.version = 14 : i64} {
  func.func @_segsum_body(%arg0: i32, %arg1: i32, %arg2: memref<2x10000x64xf32, #tpu.memory_space<hbm>>, %arg3: memref<16x250x80xi32, #tpu.memory_space<hbm>>, %arg4: memref<16x250x80xi32, #tpu.memory_space<hbm>>, %arg5: memref<10000x64xf32, #tpu.memory_space<hbm>>, %arg6: memref<2x10000x64xf32, #tpu.memory_space<hbm>>, %arg7: memref<250x80xi32, #tpu.memory_space<vmem>>, %arg8: memref<250x80xi32, #tpu.memory_space<vmem>>, %arg9: memref<8x80x64xf32, #tpu.memory_space<vmem>>, %arg10: memref<10016x64xf32, #tpu.memory_space<vmem_shared>>, %arg11: memref<8x!tpu.dma_semaphore, #tpu.memory_space<semaphore_mem>>, %arg12: memref<8x!tpu.dma_semaphore, #tpu.memory_space<semaphore_mem>>) attributes {dimension_semantics = [#tpu.dimension_semantics<core_parallel>, #tpu.dimension_semantics<subcore_parallel>], iteration_bounds = array<i64: 2, 16>, scalar_prefetch = 0 : i64, scratch_operands = 6 : i64, tpu.core_type = #tpu.core_type<sc_vector_subcore>, window_params = [{transform_indices = #map}, {transform_indices = #map}, {transform_indices = #map}, {transform_indices = #map1}, {transform_indices = #map}]} {
    "tpu.region"() ({
      %run_scoped3A = tpu.sem_alloc : memref<!tpu.dma_semaphore, #tpu.memory_space<semaphore_mem>>
      %dma_start3A = arith.constant 0 : i32
      %dma_start3A_19 = arith.constant 0 : i32
      %dma_start3A_20 = tpu.memref_slice %arg3[%arg1, %dma_start3A, %dma_start3A_19] : memref<16x250x80xi32, #tpu.memory_space<hbm>> -> memref<1x250x80xi32, #tpu.memory_space<hbm>>
      %dma_start3A_21 = tpu.memref_squeeze %dma_start3A_20 : memref<1x250x80xi32, #tpu.memory_space<hbm>> -> memref<250x80xi32, #tpu.memory_space<hbm>>
      %dma_start3A_22 = arith.constant 0 : i32
      %dma_start3A_23 = arith.constant 0 : i32
      %dma_start3A_24 = tpu.memref_slice %arg3[%arg1, %dma_start3A_22, %dma_start3A_23] : memref<16x250x80xi32, #tpu.memory_space<hbm>> -> memref<1x250x80xi32, #tpu.memory_space<hbm>>
      %dma_start3A_25 = tpu.memref_squeeze %dma_start3A_24 : memref<1x250x80xi32, #tpu.memory_space<hbm>> -> memref<250x80xi32, #tpu.memory_space<hbm>>
      tpu.enqueue_dma source(%dma_start3A_25 : memref<250x80xi32, #tpu.memory_space<hbm>>) target(%arg7 : memref<250x80xi32, #tpu.memory_space<vmem>>) target_semaphore(%run_scoped3A : memref<!tpu.dma_semaphore, #tpu.memory_space<semaphore_mem>>)
      %dma_wait3A = arith.constant 0 : i32
      %dma_wait3A_26 = arith.constant 0 : i32
      %dma_wait3A_27 = tpu.memref_slice %arg3[%arg1, %dma_wait3A, %dma_wait3A_26] : memref<16x250x80xi32, #tpu.memory_space<hbm>> -> memref<1x250x80xi32, #tpu.memory_space<hbm>>
      %dma_wait3A_28 = tpu.memref_squeeze %dma_wait3A_27 : memref<1x250x80xi32, #tpu.memory_space<hbm>> -> memref<250x80xi32, #tpu.memory_space<hbm>>
      %dma_wait3A_29 = arith.constant 0 : i32
      %dma_wait3A_30 = arith.constant 0 : i32
      %dma_wait3A_31 = tpu.memref_slice %arg3[%arg1, %dma_wait3A_29, %dma_wait3A_30] : memref<16x250x80xi32, #tpu.memory_space<hbm>> -> memref<1x250x80xi32, #tpu.memory_space<hbm>>
      %dma_wait3A_32 = tpu.memref_squeeze %dma_wait3A_31 : memref<1x250x80xi32, #tpu.memory_space<hbm>> -> memref<250x80xi32, #tpu.memory_space<hbm>>
      tpu.wait_dma2 semaphore(%run_scoped3A : memref<!tpu.dma_semaphore, #tpu.memory_space<semaphore_mem>>) src(%dma_wait3A_32 : memref<250x80xi32, #tpu.memory_space<hbm>>) dst(%arg7 : memref<250x80xi32, #tpu.memory_space<vmem>>)
      tpu.yield
    }) : () -> ()
    "tpu.region"() ({
      %run_scoped3A = tpu.sem_alloc : memref<!tpu.dma_semaphore, #tpu.memory_space<semaphore_mem>>
      %dma_start3A = arith.constant 0 : i32
      %dma_start3A_19 = arith.constant 0 : i32
      %dma_start3A_20 = tpu.memref_slice %arg4[%arg1, %dma_start3A, %dma_start3A_19] : memref<16x250x80xi32, #tpu.memory_space<hbm>> -> memref<1x250x80xi32, #tpu.memory_space<hbm>>
      %dma_start3A_21 = tpu.memref_squeeze %dma_start3A_20 : memref<1x250x80xi32, #tpu.memory_space<hbm>> -> memref<250x80xi32, #tpu.memory_space<hbm>>
      %dma_start3A_22 = arith.constant 0 : i32
      %dma_start3A_23 = arith.constant 0 : i32
      %dma_start3A_24 = tpu.memref_slice %arg4[%arg1, %dma_start3A_22, %dma_start3A_23] : memref<16x250x80xi32, #tpu.memory_space<hbm>> -> memref<1x250x80xi32, #tpu.memory_space<hbm>>
      %dma_start3A_25 = tpu.memref_squeeze %dma_start3A_24 : memref<1x250x80xi32, #tpu.memory_space<hbm>> -> memref<250x80xi32, #tpu.memory_space<hbm>>
      tpu.enqueue_dma source(%dma_start3A_25 : memref<250x80xi32, #tpu.memory_space<hbm>>) target(%arg8 : memref<250x80xi32, #tpu.memory_space<vmem>>) target_semaphore(%run_scoped3A : memref<!tpu.dma_semaphore, #tpu.memory_space<semaphore_mem>>)
      %dma_wait3A = arith.constant 0 : i32
      %dma_wait3A_26 = arith.constant 0 : i32
      %dma_wait3A_27 = tpu.memref_slice %arg4[%arg1, %dma_wait3A, %dma_wait3A_26] : memref<16x250x80xi32, #tpu.memory_space<hbm>> -> memref<1x250x80xi32, #tpu.memory_space<hbm>>
      %dma_wait3A_28 = tpu.memref_squeeze %dma_wait3A_27 : memref<1x250x80xi32, #tpu.memory_space<hbm>> -> memref<250x80xi32, #tpu.memory_space<hbm>>
      %dma_wait3A_29 = arith.constant 0 : i32
      %dma_wait3A_30 = arith.constant 0 : i32
      %dma_wait3A_31 = tpu.memref_slice %arg4[%arg1, %dma_wait3A_29, %dma_wait3A_30] : memref<16x250x80xi32, #tpu.memory_space<hbm>> -> memref<1x250x80xi32, #tpu.memory_space<hbm>>
      %dma_wait3A_32 = tpu.memref_squeeze %dma_wait3A_31 : memref<1x250x80xi32, #tpu.memory_space<hbm>> -> memref<250x80xi32, #tpu.memory_space<hbm>>
      tpu.wait_dma2 semaphore(%run_scoped3A : memref<!tpu.dma_semaphore, #tpu.memory_space<semaphore_mem>>) src(%dma_wait3A_32 : memref<250x80xi32, #tpu.memory_space<hbm>>) dst(%arg8 : memref<250x80xi32, #tpu.memory_space<vmem>>)
      tpu.yield
    }) : () -> ()
    %mul3A = arith.constant 625 : i32
    %mul3A_0 = arith.muli %arg1, %mul3A : i32
    %mul3A_1 = arith.constant 625 : i32
    %mul3A_2 = arith.muli %arg1, %mul3A_1 : i32
    "tpu.region"() ({
      %run_scoped3A = tpu.sem_alloc : memref<!tpu.dma_semaphore, #tpu.memory_space<semaphore_mem>>
      %dma_start3A = arith.constant 0 : i32
      %dma_start3A_19 = tpu.memref_slice %arg10[%mul3A_2, %dma_start3A] : memref<10016x64xf32, #tpu.memory_space<vmem_shared>> -> memref<625x64xf32, #tpu.memory_space<vmem_shared>>
      %dma_start3A_20 = arith.constant 0 : i32
      %dma_start3A_21 = tpu.memref_slice %arg5[%mul3A_0, %dma_start3A_20] : memref<10000x64xf32, #tpu.memory_space<hbm>> -> memref<625x64xf32, #tpu.memory_space<hbm>>
      tpu.enqueue_dma source(%dma_start3A_21 : memref<625x64xf32, #tpu.memory_space<hbm>>) target(%dma_start3A_19 : memref<625x64xf32, #tpu.memory_space<vmem_shared>>) target_semaphore(%run_scoped3A : memref<!tpu.dma_semaphore, #tpu.memory_space<semaphore_mem>>)
      %dma_wait3A = arith.constant 0 : i32
      %dma_wait3A_22 = tpu.memref_slice %arg10[%mul3A_2, %dma_wait3A] : memref<10016x64xf32, #tpu.memory_space<vmem_shared>> -> memref<625x64xf32, #tpu.memory_space<vmem_shared>>
      %dma_wait3A_23 = arith.constant 0 : i32
      %dma_wait3A_24 = tpu.memref_slice %arg5[%mul3A_0, %dma_wait3A_23] : memref<10000x64xf32, #tpu.memory_space<hbm>> -> memref<625x64xf32, #tpu.memory_space<hbm>>
      tpu.wait_dma2 semaphore(%run_scoped3A : memref<!tpu.dma_semaphore, #tpu.memory_space<semaphore_mem>>) src(%dma_wait3A_24 : memref<625x64xf32, #tpu.memory_space<hbm>>) dst(%dma_wait3A_22 : memref<625x64xf32, #tpu.memory_space<vmem_shared>>)
      tpu.yield
    }) : () -> ()
    %barrier3A = arith.constant 0 : index
    tpu.barrier barrier_id(%barrier3A)
    %scan3A = arith.constant 0 : i32
    %scan3A_3 = arith.constant 0 : i32
    %scan3A_4 = arith.constant 257 : i32
    %scan3A_5 = arith.addi %scan3A_3, %scan3A_4 : i32
    %scan3A_6 = arith.constant 1 : i32
    scf.for %scan3A_19 = %scan3A_3 to %scan3A_5 step %scan3A_6  : i32 {
      %rem3A = arith.constant 8 : i32
      %rem3A_20 = arith.remsi %scan3A_19, %rem3A : i32
      %add3A = arith.constant 8 : i32
      %add3A_21 = arith.addi %scan3A_19, %add3A : i32
      %sub3A = arith.constant 7 : i32
      %sub3A_22 = arith.subi %add3A_21, %sub3A : i32
      %rem3A_23 = arith.constant 8 : i32
      %rem3A_24 = arith.remsi %sub3A_22, %rem3A_23 : i32
      %lt3A = arith.constant 250 : i32
      %lt3A_25 = arith.cmpi slt, %scan3A_19, %lt3A : i32
      %convert_element_type3A = arith.extui %lt3A_25 : i1 to i32
      %cond3A = arith.constant 0 : i32
      %cond3A_26 = arith.cmpi ne, %convert_element_type3A, %cond3A : i32
      scf.if %cond3A_26 {
        %ge3A_31 = arith.constant 8 : i32
        %ge3A_32 = arith.cmpi sge, %scan3A_19, %ge3A_31 : i32
        %convert_element_type3A_33 = arith.extui %ge3A_32 : i1 to i32
        %cond3A_34 = arith.constant 0 : i32
        %cond3A_35 = arith.cmpi ne, %convert_element_type3A_33, %cond3A_34 : i32
        scf.if %cond3A_35 {
          %dma_wait3A = arith.constant 0 : i32
          %dma_wait3A_51 = arith.constant 0 : i32
          %dma_wait3A_52 = arith.constant 0 : i32
          %dma_wait3A_53 = tpu.memref_slice %arg9[%rem3A_20, %dma_wait3A_51, %dma_wait3A_52] : memref<8x80x64xf32, #tpu.memory_space<vmem>> -> memref<1x80x64xf32, #tpu.memory_space<vmem>>
          %dma_wait3A_54 = tpu.memref_squeeze %dma_wait3A_53 : memref<1x80x64xf32, #tpu.memory_space<vmem>> -> memref<80x64xf32, #tpu.memory_space<vmem>>
          %dma_wait3A_55 = arith.constant 0 : i32
          %dma_wait3A_56 = tpu.memref_slice %arg8[%dma_wait3A, %dma_wait3A_55] : memref<250x80xi32, #tpu.memory_space<vmem>> -> memref<1x80xi32, #tpu.memory_space<vmem>>
          %dma_wait3A_57 = tpu.memref_squeeze %dma_wait3A_56 : memref<1x80xi32, #tpu.memory_space<vmem>> -> memref<80xi32, #tpu.memory_space<vmem>>
          %dma_wait3A_58 = arith.constant 0 : i32
          %dma_wait3A_59 = arith.constant 0 : i32
          %dma_wait3A_60 = tpu.memref_slice %arg10[%dma_wait3A_58, %dma_wait3A_59] : memref<10016x64xf32, #tpu.memory_space<vmem_shared>> -> memref<10016x64xf32, #tpu.memory_space<vmem_shared>>
          %dma_wait3A_61 = tpu.memref_slice %arg12[%rem3A_20] : memref<8x!tpu.dma_semaphore, #tpu.memory_space<semaphore_mem>> -> memref<1x!tpu.dma_semaphore, #tpu.memory_space<semaphore_mem>>
          %dma_wait3A_62 = tpu.memref_squeeze %dma_wait3A_61 : memref<1x!tpu.dma_semaphore, #tpu.memory_space<semaphore_mem>> -> memref<!tpu.dma_semaphore, #tpu.memory_space<semaphore_mem>>
          tpu.wait_indirect_dma semaphore(%dma_wait3A_62 : memref<!tpu.dma_semaphore, #tpu.memory_space<semaphore_mem>>) src(%dma_wait3A_54 : memref<80x64xf32, #tpu.memory_space<vmem>>) dst(%dma_wait3A_60 : memref<10016x64xf32, #tpu.memory_space<vmem_shared>>)
        } else {
        }
        %dma_start3A = arith.constant 0 : i32
        %dma_start3A_36 = arith.constant 0 : i32
        %dma_start3A_37 = tpu.memref_slice %arg9[%rem3A_20, %dma_start3A, %dma_start3A_36] : memref<8x80x64xf32, #tpu.memory_space<vmem>> -> memref<1x80x64xf32, #tpu.memory_space<vmem>>
        %dma_start3A_38 = tpu.memref_squeeze %dma_start3A_37 : memref<1x80x64xf32, #tpu.memory_space<vmem>> -> memref<80x64xf32, #tpu.memory_space<vmem>>
        %dma_start3A_39 = arith.constant 0 : i32
        %dma_start3A_40 = tpu.memref_slice %arg7[%scan3A_19, %dma_start3A_39] : memref<250x80xi32, #tpu.memory_space<vmem>> -> memref<1x80xi32, #tpu.memory_space<vmem>>
        %dma_start3A_41 = tpu.memref_squeeze %dma_start3A_40 : memref<1x80xi32, #tpu.memory_space<vmem>> -> memref<80xi32, #tpu.memory_space<vmem>>
        %dma_start3A_42 = arith.constant 0 : i32
        %dma_start3A_43 = arith.constant 0 : i32
        %dma_start3A_44 = tpu.memref_slice %arg2[%arg0, %dma_start3A_42, %dma_start3A_43] : memref<2x10000x64xf32, #tpu.memory_space<hbm>> -> memref<1x10000x64xf32, #tpu.memory_space<hbm>>
        %dma_start3A_45 = tpu.memref_squeeze %dma_start3A_44 : memref<1x10000x64xf32, #tpu.memory_space<hbm>> -> memref<10000x64xf32, #tpu.memory_space<hbm>>
        %dma_start3A_46 = arith.constant 0 : i32
        %dma_start3A_47 = arith.constant 0 : i32
        %dma_start3A_48 = tpu.memref_slice %dma_start3A_45[%dma_start3A_46, %dma_start3A_47] : memref<10000x64xf32, #tpu.memory_space<hbm>> -> memref<10000x64xf32, #tpu.memory_space<hbm>>
        %dma_start3A_49 = tpu.memref_slice %arg11[%rem3A_20] : memref<8x!tpu.dma_semaphore, #tpu.memory_space<semaphore_mem>> -> memref<1x!tpu.dma_semaphore, #tpu.memory_space<semaphore_mem>>
        %dma_start3A_50 = tpu.memref_squeeze %dma_start3A_49 : memref<1x!tpu.dma_semaphore, #tpu.memory_space<semaphore_mem>> -> memref<!tpu.dma_semaphore, #tpu.memory_space<semaphore_mem>>
        tpu.enqueue_indirect_dma source(%dma_start3A_48 : memref<10000x64xf32, #tpu.memory_space<hbm>>) target(%dma_start3A_38 : memref<80x64xf32, #tpu.memory_space<vmem>>) offsets(%dma_start3A_41 : memref<80xi32, #tpu.memory_space<vmem>>) semaphore(%dma_start3A_50 : memref<!tpu.dma_semaphore, #tpu.memory_space<semaphore_mem>>)
      } else {
      }
      %ge3A = arith.constant 7 : i32
      %ge3A_27 = arith.cmpi sge, %scan3A_19, %ge3A : i32
      %convert_element_type3A_28 = arith.extui %ge3A_27 : i1 to i32
      %cond3A_29 = arith.constant 0 : i32
      %cond3A_30 = arith.cmpi ne, %convert_element_type3A_28, %cond3A_29 : i32
      scf.if %cond3A_30 {
        %dma_wait3A = arith.constant 0 : i32
        %dma_wait3A_31 = arith.constant 0 : i32
        %dma_wait3A_32 = arith.constant 0 : i32
        %dma_wait3A_33 = tpu.memref_slice %arg9[%rem3A_24, %dma_wait3A_31, %dma_wait3A_32] : memref<8x80x64xf32, #tpu.memory_space<vmem>> -> memref<1x80x64xf32, #tpu.memory_space<vmem>>
        %dma_wait3A_34 = tpu.memref_squeeze %dma_wait3A_33 : memref<1x80x64xf32, #tpu.memory_space<vmem>> -> memref<80x64xf32, #tpu.memory_space<vmem>>
        %dma_wait3A_35 = arith.constant 0 : i32
        %dma_wait3A_36 = tpu.memref_slice %arg7[%dma_wait3A, %dma_wait3A_35] : memref<250x80xi32, #tpu.memory_space<vmem>> -> memref<1x80xi32, #tpu.memory_space<vmem>>
        %dma_wait3A_37 = tpu.memref_squeeze %dma_wait3A_36 : memref<1x80xi32, #tpu.memory_space<vmem>> -> memref<80xi32, #tpu.memory_space<vmem>>
        %dma_wait3A_38 = arith.constant 0 : i32
        %dma_wait3A_39 = arith.constant 0 : i32
        %dma_wait3A_40 = tpu.memref_slice %arg2[%arg0, %dma_wait3A_38, %dma_wait3A_39] : memref<2x10000x64xf32, #tpu.memory_space<hbm>> -> memref<1x10000x64xf32, #tpu.memory_space<hbm>>
        %dma_wait3A_41 = tpu.memref_squeeze %dma_wait3A_40 : memref<1x10000x64xf32, #tpu.memory_space<hbm>> -> memref<10000x64xf32, #tpu.memory_space<hbm>>
        %dma_wait3A_42 = arith.constant 0 : i32
        %dma_wait3A_43 = arith.constant 0 : i32
        %dma_wait3A_44 = tpu.memref_slice %dma_wait3A_41[%dma_wait3A_42, %dma_wait3A_43] : memref<10000x64xf32, #tpu.memory_space<hbm>> -> memref<10000x64xf32, #tpu.memory_space<hbm>>
        %dma_wait3A_45 = tpu.memref_slice %arg11[%rem3A_24] : memref<8x!tpu.dma_semaphore, #tpu.memory_space<semaphore_mem>> -> memref<1x!tpu.dma_semaphore, #tpu.memory_space<semaphore_mem>>
        %dma_wait3A_46 = tpu.memref_squeeze %dma_wait3A_45 : memref<1x!tpu.dma_semaphore, #tpu.memory_space<semaphore_mem>> -> memref<!tpu.dma_semaphore, #tpu.memory_space<semaphore_mem>>
        tpu.wait_indirect_dma semaphore(%dma_wait3A_46 : memref<!tpu.dma_semaphore, #tpu.memory_space<semaphore_mem>>) src(%dma_wait3A_44 : memref<10000x64xf32, #tpu.memory_space<hbm>>) dst(%dma_wait3A_34 : memref<80x64xf32, #tpu.memory_space<vmem>>)
        %sub3A_47 = arith.constant 7 : i32
        %sub3A_48 = arith.subi %scan3A_19, %sub3A_47 : i32
        %dma_start3A = arith.constant 0 : i32
        %dma_start3A_49 = arith.constant 0 : i32
        %dma_start3A_50 = tpu.memref_slice %arg9[%rem3A_24, %dma_start3A, %dma_start3A_49] : memref<8x80x64xf32, #tpu.memory_space<vmem>> -> memref<1x80x64xf32, #tpu.memory_space<vmem>>
        %dma_start3A_51 = tpu.memref_squeeze %dma_start3A_50 : memref<1x80x64xf32, #tpu.memory_space<vmem>> -> memref<80x64xf32, #tpu.memory_space<vmem>>
        %dma_start3A_52 = arith.constant 0 : i32
        %dma_start3A_53 = tpu.memref_slice %arg8[%sub3A_48, %dma_start3A_52] : memref<250x80xi32, #tpu.memory_space<vmem>> -> memref<1x80xi32, #tpu.memory_space<vmem>>
        %dma_start3A_54 = tpu.memref_squeeze %dma_start3A_53 : memref<1x80xi32, #tpu.memory_space<vmem>> -> memref<80xi32, #tpu.memory_space<vmem>>
        %dma_start3A_55 = arith.constant 0 : i32
        %dma_start3A_56 = arith.constant 0 : i32
        %dma_start3A_57 = tpu.memref_slice %arg10[%dma_start3A_55, %dma_start3A_56] : memref<10016x64xf32, #tpu.memory_space<vmem_shared>> -> memref<10016x64xf32, #tpu.memory_space<vmem_shared>>
        %dma_start3A_58 = tpu.memref_slice %arg12[%rem3A_24] : memref<8x!tpu.dma_semaphore, #tpu.memory_space<semaphore_mem>> -> memref<1x!tpu.dma_semaphore, #tpu.memory_space<semaphore_mem>>
        %dma_start3A_59 = tpu.memref_squeeze %dma_start3A_58 : memref<1x!tpu.dma_semaphore, #tpu.memory_space<semaphore_mem>> -> memref<!tpu.dma_semaphore, #tpu.memory_space<semaphore_mem>>
        tpu.enqueue_indirect_dma source(%dma_start3A_51 : memref<80x64xf32, #tpu.memory_space<vmem>>) target(%dma_start3A_57 : memref<10016x64xf32, #tpu.memory_space<vmem_shared>>) offsets(%dma_start3A_54 : memref<80xi32, #tpu.memory_space<vmem>>) semaphore(%dma_start3A_59 : memref<!tpu.dma_semaphore, #tpu.memory_space<semaphore_mem>>) {add = true}
      } else {
      }
    }
    %scan3A_7 = arith.constant 257 : i32
    %scan3A_8 = arith.constant 0 : i32
    %scan3A_9 = arith.constant 242 : i32
    %scan3A_10 = arith.constant 8 : i32
    %scan3A_11 = arith.addi %scan3A_9, %scan3A_10 : i32
    %scan3A_12 = arith.constant 1 : i32
    scf.for %scan3A_19 = %scan3A_9 to %scan3A_11 step %scan3A_12  : i32 {
      %rem3A = arith.constant 8 : i32
      %rem3A_20 = arith.remsi %scan3A_19, %rem3A : i32
      %dma_wait3A = arith.constant 0 : i32
      %dma_wait3A_21 = arith.constant 0 : i32
      %dma_wait3A_22 = arith.constant 0 : i32
      %dma_wait3A_23 = tpu.memref_slice %arg9[%rem3A_20, %dma_wait3A_21, %dma_wait3A_22] : memref<8x80x64xf32, #tpu.memory_space<vmem>> -> memref<1x80x64xf32, #tpu.memory_space<vmem>>
      %dma_wait3A_24 = tpu.memref_squeeze %dma_wait3A_23 : memref<1x80x64xf32, #tpu.memory_space<vmem>> -> memref<80x64xf32, #tpu.memory_space<vmem>>
      %dma_wait3A_25 = arith.constant 0 : i32
      %dma_wait3A_26 = tpu.memref_slice %arg8[%dma_wait3A, %dma_wait3A_25] : memref<250x80xi32, #tpu.memory_space<vmem>> -> memref<1x80xi32, #tpu.memory_space<vmem>>
      %dma_wait3A_27 = tpu.memref_squeeze %dma_wait3A_26 : memref<1x80xi32, #tpu.memory_space<vmem>> -> memref<80xi32, #tpu.memory_space<vmem>>
      %dma_wait3A_28 = arith.constant 0 : i32
      %dma_wait3A_29 = arith.constant 0 : i32
      %dma_wait3A_30 = tpu.memref_slice %arg10[%dma_wait3A_28, %dma_wait3A_29] : memref<10016x64xf32, #tpu.memory_space<vmem_shared>> -> memref<10016x64xf32, #tpu.memory_space<vmem_shared>>
      %dma_wait3A_31 = tpu.memref_slice %arg12[%rem3A_20] : memref<8x!tpu.dma_semaphore, #tpu.memory_space<semaphore_mem>> -> memref<1x!tpu.dma_semaphore, #tpu.memory_space<semaphore_mem>>
      %dma_wait3A_32 = tpu.memref_squeeze %dma_wait3A_31 : memref<1x!tpu.dma_semaphore, #tpu.memory_space<semaphore_mem>> -> memref<!tpu.dma_semaphore, #tpu.memory_space<semaphore_mem>>
      tpu.wait_indirect_dma semaphore(%dma_wait3A_32 : memref<!tpu.dma_semaphore, #tpu.memory_space<semaphore_mem>>) src(%dma_wait3A_24 : memref<80x64xf32, #tpu.memory_space<vmem>>) dst(%dma_wait3A_30 : memref<10016x64xf32, #tpu.memory_space<vmem_shared>>)
    }
    %scan3A_13 = arith.constant 8 : i32
    %barrier3A_14 = arith.constant 0 : index
    tpu.barrier barrier_id(%barrier3A_14)
    %mul3A_15 = arith.constant 625 : i32
    %mul3A_16 = arith.muli %arg1, %mul3A_15 : i32
    %mul3A_17 = arith.constant 625 : i32
    %mul3A_18 = arith.muli %arg1, %mul3A_17 : i32
    "tpu.region"() ({
      %run_scoped3A = tpu.sem_alloc : memref<!tpu.dma_semaphore, #tpu.memory_space<semaphore_mem>>
      %dma_start3A = arith.constant 0 : i32
      %dma_start3A_19 = tpu.memref_slice %arg6[%arg0, %mul3A_18, %dma_start3A] : memref<2x10000x64xf32, #tpu.memory_space<hbm>> -> memref<1x625x64xf32, #tpu.memory_space<hbm>>
      %dma_start3A_20 = tpu.memref_squeeze %dma_start3A_19 : memref<1x625x64xf32, #tpu.memory_space<hbm>> -> memref<625x64xf32, #tpu.memory_space<hbm>>
      %dma_start3A_21 = arith.constant 0 : i32
      %dma_start3A_22 = tpu.memref_slice %arg10[%mul3A_16, %dma_start3A_21] : memref<10016x64xf32, #tpu.memory_space<vmem_shared>> -> memref<625x64xf32, #tpu.memory_space<vmem_shared>>
      tpu.enqueue_dma source(%dma_start3A_22 : memref<625x64xf32, #tpu.memory_space<vmem_shared>>) target(%dma_start3A_20 : memref<625x64xf32, #tpu.memory_space<hbm>>) target_semaphore(%run_scoped3A : memref<!tpu.dma_semaphore, #tpu.memory_space<semaphore_mem>>)
      %dma_wait3A = arith.constant 0 : i32
      %dma_wait3A_23 = tpu.memref_slice %arg6[%arg0, %mul3A_18, %dma_wait3A] : memref<2x10000x64xf32, #tpu.memory_space<hbm>> -> memref<1x625x64xf32, #tpu.memory_space<hbm>>
      %dma_wait3A_24 = tpu.memref_squeeze %dma_wait3A_23 : memref<1x625x64xf32, #tpu.memory_space<hbm>> -> memref<625x64xf32, #tpu.memory_space<hbm>>
      %dma_wait3A_25 = arith.constant 0 : i32
      %dma_wait3A_26 = tpu.memref_slice %arg10[%mul3A_16, %dma_wait3A_25] : memref<10016x64xf32, #tpu.memory_space<vmem_shared>> -> memref<625x64xf32, #tpu.memory_space<vmem_shared>>
      tpu.wait_dma2 semaphore(%run_scoped3A : memref<!tpu.dma_semaphore, #tpu.memory_space<semaphore_mem>>) src(%dma_wait3A_26 : memref<625x64xf32, #tpu.memory_space<vmem_shared>>) dst(%dma_wait3A_24 : memref<625x64xf32, #tpu.memory_space<hbm>>)
      tpu.yield
    }) : () -> ()
    return
  }
}

#map = affine_map<(d0, d1) -> (0, 0, 0)>
#map1 = affine_map<(d0, d1) -> (0, 0)>
module attributes {stable_mosaic.version = 14 : i64} {
  func.func @_segsum_body(%arg0: i32, %arg1: i32, %arg2: memref<2x10000x64xf32, #tpu.memory_space<hbm>>, %arg3: memref<16x250x80xi32, #tpu.memory_space<hbm>>, %arg4: memref<16x250x80xi32, #tpu.memory_space<hbm>>, %arg5: memref<10000x64xf32, #tpu.memory_space<hbm>>, %arg6: memref<2x10000x64xf32, #tpu.memory_space<hbm>>, %arg7: memref<250x80xi32, #tpu.memory_space<vmem>>, %arg8: memref<250x80xi32, #tpu.memory_space<vmem>>, %arg9: memref<8x80x64xf32, #tpu.memory_space<vmem>>, %arg10: memref<10016x64xf32, #tpu.memory_space<vmem_shared>>, %arg11: memref<8x!tpu.dma_semaphore, #tpu.memory_space<semaphore_mem>>, %arg12: memref<8x!tpu.dma_semaphore, #tpu.memory_space<semaphore_mem>>) attributes {dimension_semantics = [#tpu.dimension_semantics<core_parallel>, #tpu.dimension_semantics<subcore_parallel>], iteration_bounds = array<i64: 2, 16>, scalar_prefetch = 0 : i64, scratch_operands = 6 : i64, tpu.core_type = #tpu.core_type<sc_vector_subcore>, window_params = [{transform_indices = #map}, {transform_indices = #map}, {transform_indices = #map}, {transform_indices = #map1}, {transform_indices = #map}]} {
    "tpu.region"() ({
      %run_scoped3A = tpu.sem_alloc : memref<!tpu.dma_semaphore, #tpu.memory_space<semaphore_mem>>
      %dma_start3A = arith.constant 0 : i32
      %dma_start3A_19 = arith.constant 0 : i32
      %dma_start3A_20 = tpu.memref_slice %arg3[%arg1, %dma_start3A, %dma_start3A_19] : memref<16x250x80xi32, #tpu.memory_space<hbm>> -> memref<1x250x80xi32, #tpu.memory_space<hbm>>
      %dma_start3A_21 = tpu.memref_squeeze %dma_start3A_20 : memref<1x250x80xi32, #tpu.memory_space<hbm>> -> memref<250x80xi32, #tpu.memory_space<hbm>>
      %dma_start3A_22 = arith.constant 0 : i32
      %dma_start3A_23 = arith.constant 0 : i32
      %dma_start3A_24 = tpu.memref_slice %arg3[%arg1, %dma_start3A_22, %dma_start3A_23] : memref<16x250x80xi32, #tpu.memory_space<hbm>> -> memref<1x250x80xi32, #tpu.memory_space<hbm>>
      %dma_start3A_25 = tpu.memref_squeeze %dma_start3A_24 : memref<1x250x80xi32, #tpu.memory_space<hbm>> -> memref<250x80xi32, #tpu.memory_space<hbm>>
      tpu.enqueue_dma source(%dma_start3A_25 : memref<250x80xi32, #tpu.memory_space<hbm>>) target(%arg7 : memref<250x80xi32, #tpu.memory_space<vmem>>) target_semaphore(%run_scoped3A : memref<!tpu.dma_semaphore, #tpu.memory_space<semaphore_mem>>)
      %dma_wait3A = arith.constant 0 : i32
      %dma_wait3A_26 = arith.constant 0 : i32
      %dma_wait3A_27 = tpu.memref_slice %arg3[%arg1, %dma_wait3A, %dma_wait3A_26] : memref<16x250x80xi32, #tpu.memory_space<hbm>> -> memref<1x250x80xi32, #tpu.memory_space<hbm>>
      %dma_wait3A_28 = tpu.memref_squeeze %dma_wait3A_27 : memref<1x250x80xi32, #tpu.memory_space<hbm>> -> memref<250x80xi32, #tpu.memory_space<hbm>>
      %dma_wait3A_29 = arith.constant 0 : i32
      %dma_wait3A_30 = arith.constant 0 : i32
      %dma_wait3A_31 = tpu.memref_slice %arg3[%arg1, %dma_wait3A_29, %dma_wait3A_30] : memref<16x250x80xi32, #tpu.memory_space<hbm>> -> memref<1x250x80xi32, #tpu.memory_space<hbm>>
      %dma_wait3A_32 = tpu.memref_squeeze %dma_wait3A_31 : memref<1x250x80xi32, #tpu.memory_space<hbm>> -> memref<250x80xi32, #tpu.memory_space<hbm>>
      tpu.wait_dma2 semaphore(%run_scoped3A : memref<!tpu.dma_semaphore, #tpu.memory_space<semaphore_mem>>) src(%dma_wait3A_32 : memref<250x80xi32, #tpu.memory_space<hbm>>) dst(%arg7 : memref<250x80xi32, #tpu.memory_space<vmem>>)
      tpu.yield
    }) : () -> ()
    "tpu.region"() ({
      %run_scoped3A = tpu.sem_alloc : memref<!tpu.dma_semaphore, #tpu.memory_space<semaphore_mem>>
      %dma_start3A = arith.constant 0 : i32
      %dma_start3A_19 = arith.constant 0 : i32
      %dma_start3A_20 = tpu.memref_slice %arg4[%arg1, %dma_start3A, %dma_start3A_19] : memref<16x250x80xi32, #tpu.memory_space<hbm>> -> memref<1x250x80xi32, #tpu.memory_space<hbm>>
      %dma_start3A_21 = tpu.memref_squeeze %dma_start3A_20 : memref<1x250x80xi32, #tpu.memory_space<hbm>> -> memref<250x80xi32, #tpu.memory_space<hbm>>
      %dma_start3A_22 = arith.constant 0 : i32
      %dma_start3A_23 = arith.constant 0 : i32
      %dma_start3A_24 = tpu.memref_slice %arg4[%arg1, %dma_start3A_22, %dma_start3A_23] : memref<16x250x80xi32, #tpu.memory_space<hbm>> -> memref<1x250x80xi32, #tpu.memory_space<hbm>>
      %dma_start3A_25 = tpu.memref_squeeze %dma_start3A_24 : memref<1x250x80xi32, #tpu.memory_space<hbm>> -> memref<250x80xi32, #tpu.memory_space<hbm>>
      tpu.enqueue_dma source(%dma_start3A_25 : memref<250x80xi32, #tpu.memory_space<hbm>>) target(%arg8 : memref<250x80xi32, #tpu.memory_space<vmem>>) target_semaphore(%run_scoped3A : memref<!tpu.dma_semaphore, #tpu.memory_space<semaphore_mem>>)
      %dma_wait3A = arith.constant 0 : i32
      %dma_wait3A_26 = arith.constant 0 : i32
      %dma_wait3A_27 = tpu.memref_slice %arg4[%arg1, %dma_wait3A, %dma_wait3A_26] : memref<16x250x80xi32, #tpu.memory_space<hbm>> -> memref<1x250x80xi32, #tpu.memory_space<hbm>>
      %dma_wait3A_28 = tpu.memref_squeeze %dma_wait3A_27 : memref<1x250x80xi32, #tpu.memory_space<hbm>> -> memref<250x80xi32, #tpu.memory_space<hbm>>
      %dma_wait3A_29 = arith.constant 0 : i32
      %dma_wait3A_30 = arith.constant 0 : i32
      %dma_wait3A_31 = tpu.memref_slice %arg4[%arg1, %dma_wait3A_29, %dma_wait3A_30] : memref<16x250x80xi32, #tpu.memory_space<hbm>> -> memref<1x250x80xi32, #tpu.memory_space<hbm>>
      %dma_wait3A_32 = tpu.memref_squeeze %dma_wait3A_31 : memref<1x250x80xi32, #tpu.memory_space<hbm>> -> memref<250x80xi32, #tpu.memory_space<hbm>>
      tpu.wait_dma2 semaphore(%run_scoped3A : memref<!tpu.dma_semaphore, #tpu.memory_space<semaphore_mem>>) src(%dma_wait3A_32 : memref<250x80xi32, #tpu.memory_space<hbm>>) dst(%arg8 : memref<250x80xi32, #tpu.memory_space<vmem>>)
      tpu.yield
    }) : () -> ()
    %mul3A = arith.constant 625 : i32
    %mul3A_0 = arith.muli %arg1, %mul3A : i32
    %mul3A_1 = arith.constant 625 : i32
    %mul3A_2 = arith.muli %arg1, %mul3A_1 : i32
    "tpu.region"() ({
      %run_scoped3A = tpu.sem_alloc : memref<!tpu.dma_semaphore, #tpu.memory_space<semaphore_mem>>
      %dma_start3A = arith.constant 0 : i32
      %dma_start3A_19 = tpu.memref_slice %arg10[%mul3A_2, %dma_start3A] : memref<10016x64xf32, #tpu.memory_space<vmem_shared>> -> memref<625x64xf32, #tpu.memory_space<vmem_shared>>
      %dma_start3A_20 = arith.constant 0 : i32
      %dma_start3A_21 = tpu.memref_slice %arg5[%mul3A_0, %dma_start3A_20] : memref<10000x64xf32, #tpu.memory_space<hbm>> -> memref<625x64xf32, #tpu.memory_space<hbm>>
      tpu.enqueue_dma source(%dma_start3A_21 : memref<625x64xf32, #tpu.memory_space<hbm>>) target(%dma_start3A_19 : memref<625x64xf32, #tpu.memory_space<vmem_shared>>) target_semaphore(%run_scoped3A : memref<!tpu.dma_semaphore, #tpu.memory_space<semaphore_mem>>)
      %dma_wait3A = arith.constant 0 : i32
      %dma_wait3A_22 = tpu.memref_slice %arg10[%mul3A_2, %dma_wait3A] : memref<10016x64xf32, #tpu.memory_space<vmem_shared>> -> memref<625x64xf32, #tpu.memory_space<vmem_shared>>
      %dma_wait3A_23 = arith.constant 0 : i32
      %dma_wait3A_24 = tpu.memref_slice %arg5[%mul3A_0, %dma_wait3A_23] : memref<10000x64xf32, #tpu.memory_space<hbm>> -> memref<625x64xf32, #tpu.memory_space<hbm>>
      tpu.wait_dma2 semaphore(%run_scoped3A : memref<!tpu.dma_semaphore, #tpu.memory_space<semaphore_mem>>) src(%dma_wait3A_24 : memref<625x64xf32, #tpu.memory_space<hbm>>) dst(%dma_wait3A_22 : memref<625x64xf32, #tpu.memory_space<vmem_shared>>)
      tpu.yield
    }) : () -> ()
    %barrier3A = arith.constant 0 : index
    tpu.barrier barrier_id(%barrier3A)
    %scan3A = arith.constant 0 : i32
    %scan3A_3 = arith.constant 0 : i32
    %scan3A_4 = arith.constant 257 : i32
    %scan3A_5 = arith.addi %scan3A_3, %scan3A_4 : i32
    %scan3A_6 = arith.constant 1 : i32
    scf.for %scan3A_19 = %scan3A_3 to %scan3A_5 step %scan3A_6  : i32 {
      %rem3A = arith.constant 8 : i32
      %rem3A_20 = arith.remsi %scan3A_19, %rem3A : i32
      %add3A = arith.constant 8 : i32
      %add3A_21 = arith.addi %scan3A_19, %add3A : i32
      %sub3A = arith.constant 7 : i32
      %sub3A_22 = arith.subi %add3A_21, %sub3A : i32
      %rem3A_23 = arith.constant 8 : i32
      %rem3A_24 = arith.remsi %sub3A_22, %rem3A_23 : i32
      %lt3A = arith.constant 250 : i32
      %lt3A_25 = arith.cmpi slt, %scan3A_19, %lt3A : i32
      %convert_element_type3A = arith.extui %lt3A_25 : i1 to i32
      %cond3A = arith.constant 0 : i32
      %cond3A_26 = arith.cmpi ne, %convert_element_type3A, %cond3A : i32
      scf.if %cond3A_26 {
        %ge3A_31 = arith.constant 8 : i32
        %ge3A_32 = arith.cmpi sge, %scan3A_19, %ge3A_31 : i32
        %convert_element_type3A_33 = arith.extui %ge3A_32 : i1 to i32
        %cond3A_34 = arith.constant 0 : i32
        %cond3A_35 = arith.cmpi ne, %convert_element_type3A_33, %cond3A_34 : i32
        scf.if %cond3A_35 {
          %dma_wait3A = arith.constant 0 : i32
          %dma_wait3A_51 = arith.constant 0 : i32
          %dma_wait3A_52 = arith.constant 0 : i32
          %dma_wait3A_53 = tpu.memref_slice %arg9[%rem3A_20, %dma_wait3A_51, %dma_wait3A_52] : memref<8x80x64xf32, #tpu.memory_space<vmem>> -> memref<1x80x64xf32, #tpu.memory_space<vmem>>
          %dma_wait3A_54 = tpu.memref_squeeze %dma_wait3A_53 : memref<1x80x64xf32, #tpu.memory_space<vmem>> -> memref<80x64xf32, #tpu.memory_space<vmem>>
          %dma_wait3A_55 = arith.constant 0 : i32
          %dma_wait3A_56 = tpu.memref_slice %arg8[%dma_wait3A, %dma_wait3A_55] : memref<250x80xi32, #tpu.memory_space<vmem>> -> memref<1x80xi32, #tpu.memory_space<vmem>>
          %dma_wait3A_57 = tpu.memref_squeeze %dma_wait3A_56 : memref<1x80xi32, #tpu.memory_space<vmem>> -> memref<80xi32, #tpu.memory_space<vmem>>
          %dma_wait3A_58 = arith.constant 0 : i32
          %dma_wait3A_59 = arith.constant 0 : i32
          %dma_wait3A_60 = tpu.memref_slice %arg10[%dma_wait3A_58, %dma_wait3A_59] : memref<10016x64xf32, #tpu.memory_space<vmem_shared>> -> memref<10016x64xf32, #tpu.memory_space<vmem_shared>>
          %dma_wait3A_61 = tpu.memref_slice %arg12[%rem3A_20] : memref<8x!tpu.dma_semaphore, #tpu.memory_space<semaphore_mem>> -> memref<1x!tpu.dma_semaphore, #tpu.memory_space<semaphore_mem>>
          %dma_wait3A_62 = tpu.memref_squeeze %dma_wait3A_61 : memref<1x!tpu.dma_semaphore, #tpu.memory_space<semaphore_mem>> -> memref<!tpu.dma_semaphore, #tpu.memory_space<semaphore_mem>>
          tpu.wait_indirect_dma semaphore(%dma_wait3A_62 : memref<!tpu.dma_semaphore, #tpu.memory_space<semaphore_mem>>) src(%dma_wait3A_54 : memref<80x64xf32, #tpu.memory_space<vmem>>) dst(%dma_wait3A_60 : memref<10016x64xf32, #tpu.memory_space<vmem_shared>>)
        } else {
        }
        %dma_start3A = arith.constant 0 : i32
        %dma_start3A_36 = arith.constant 0 : i32
        %dma_start3A_37 = tpu.memref_slice %arg9[%rem3A_20, %dma_start3A, %dma_start3A_36] : memref<8x80x64xf32, #tpu.memory_space<vmem>> -> memref<1x80x64xf32, #tpu.memory_space<vmem>>
        %dma_start3A_38 = tpu.memref_squeeze %dma_start3A_37 : memref<1x80x64xf32, #tpu.memory_space<vmem>> -> memref<80x64xf32, #tpu.memory_space<vmem>>
        %dma_start3A_39 = arith.constant 0 : i32
        %dma_start3A_40 = tpu.memref_slice %arg7[%scan3A_19, %dma_start3A_39] : memref<250x80xi32, #tpu.memory_space<vmem>> -> memref<1x80xi32, #tpu.memory_space<vmem>>
        %dma_start3A_41 = tpu.memref_squeeze %dma_start3A_40 : memref<1x80xi32, #tpu.memory_space<vmem>> -> memref<80xi32, #tpu.memory_space<vmem>>
        %dma_start3A_42 = arith.constant 0 : i32
        %dma_start3A_43 = arith.constant 0 : i32
        %dma_start3A_44 = tpu.memref_slice %arg2[%arg0, %dma_start3A_42, %dma_start3A_43] : memref<2x10000x64xf32, #tpu.memory_space<hbm>> -> memref<1x10000x64xf32, #tpu.memory_space<hbm>>
        %dma_start3A_45 = tpu.memref_squeeze %dma_start3A_44 : memref<1x10000x64xf32, #tpu.memory_space<hbm>> -> memref<10000x64xf32, #tpu.memory_space<hbm>>
        %dma_start3A_46 = arith.constant 0 : i32
        %dma_start3A_47 = arith.constant 0 : i32
        %dma_start3A_48 = tpu.memref_slice %dma_start3A_45[%dma_start3A_46, %dma_start3A_47] : memref<10000x64xf32, #tpu.memory_space<hbm>> -> memref<10000x64xf32, #tpu.memory_space<hbm>>
        %dma_start3A_49 = tpu.memref_slice %arg11[%rem3A_20] : memref<8x!tpu.dma_semaphore, #tpu.memory_space<semaphore_mem>> -> memref<1x!tpu.dma_semaphore, #tpu.memory_space<semaphore_mem>>
        %dma_start3A_50 = tpu.memref_squeeze %dma_start3A_49 : memref<1x!tpu.dma_semaphore, #tpu.memory_space<semaphore_mem>> -> memref<!tpu.dma_semaphore, #tpu.memory_space<semaphore_mem>>
        tpu.enqueue_indirect_dma source(%dma_start3A_48 : memref<10000x64xf32, #tpu.memory_space<hbm>>) target(%dma_start3A_38 : memref<80x64xf32, #tpu.memory_space<vmem>>) offsets(%dma_start3A_41 : memref<80xi32, #tpu.memory_space<vmem>>) semaphore(%dma_start3A_50 : memref<!tpu.dma_semaphore, #tpu.memory_space<semaphore_mem>>)
      } else {
      }
      %ge3A = arith.constant 7 : i32
      %ge3A_27 = arith.cmpi sge, %scan3A_19, %ge3A : i32
      %convert_element_type3A_28 = arith.extui %ge3A_27 : i1 to i32
      %cond3A_29 = arith.constant 0 : i32
      %cond3A_30 = arith.cmpi ne, %convert_element_type3A_28, %cond3A_29 : i32
      scf.if %cond3A_30 {
        %dma_wait3A = arith.constant 0 : i32
        %dma_wait3A_31 = arith.constant 0 : i32
        %dma_wait3A_32 = arith.constant 0 : i32
        %dma_wait3A_33 = tpu.memref_slice %arg9[%rem3A_24, %dma_wait3A_31, %dma_wait3A_32] : memref<8x80x64xf32, #tpu.memory_space<vmem>> -> memref<1x80x64xf32, #tpu.memory_space<vmem>>
        %dma_wait3A_34 = tpu.memref_squeeze %dma_wait3A_33 : memref<1x80x64xf32, #tpu.memory_space<vmem>> -> memref<80x64xf32, #tpu.memory_space<vmem>>
        %dma_wait3A_35 = arith.constant 0 : i32
        %dma_wait3A_36 = tpu.memref_slice %arg7[%dma_wait3A, %dma_wait3A_35] : memref<250x80xi32, #tpu.memory_space<vmem>> -> memref<1x80xi32, #tpu.memory_space<vmem>>
        %dma_wait3A_37 = tpu.memref_squeeze %dma_wait3A_36 : memref<1x80xi32, #tpu.memory_space<vmem>> -> memref<80xi32, #tpu.memory_space<vmem>>
        %dma_wait3A_38 = arith.constant 0 : i32
        %dma_wait3A_39 = arith.constant 0 : i32
        %dma_wait3A_40 = tpu.memref_slice %arg2[%arg0, %dma_wait3A_38, %dma_wait3A_39] : memref<2x10000x64xf32, #tpu.memory_space<hbm>> -> memref<1x10000x64xf32, #tpu.memory_space<hbm>>
        %dma_wait3A_41 = tpu.memref_squeeze %dma_wait3A_40 : memref<1x10000x64xf32, #tpu.memory_space<hbm>> -> memref<10000x64xf32, #tpu.memory_space<hbm>>
        %dma_wait3A_42 = arith.constant 0 : i32
        %dma_wait3A_43 = arith.constant 0 : i32
        %dma_wait3A_44 = tpu.memref_slice %dma_wait3A_41[%dma_wait3A_42, %dma_wait3A_43] : memref<10000x64xf32, #tpu.memory_space<hbm>> -> memref<10000x64xf32, #tpu.memory_space<hbm>>
        %dma_wait3A_45 = tpu.memref_slice %arg11[%rem3A_24] : memref<8x!tpu.dma_semaphore, #tpu.memory_space<semaphore_mem>> -> memref<1x!tpu.dma_semaphore, #tpu.memory_space<semaphore_mem>>
        %dma_wait3A_46 = tpu.memref_squeeze %dma_wait3A_45 : memref<1x!tpu.dma_semaphore, #tpu.memory_space<semaphore_mem>> -> memref<!tpu.dma_semaphore, #tpu.memory_space<semaphore_mem>>
        tpu.wait_indirect_dma semaphore(%dma_wait3A_46 : memref<!tpu.dma_semaphore, #tpu.memory_space<semaphore_mem>>) src(%dma_wait3A_44 : memref<10000x64xf32, #tpu.memory_space<hbm>>) dst(%dma_wait3A_34 : memref<80x64xf32, #tpu.memory_space<vmem>>)
        %sub3A_47 = arith.constant 7 : i32
        %sub3A_48 = arith.subi %scan3A_19, %sub3A_47 : i32
        %dma_start3A = arith.constant 0 : i32
        %dma_start3A_49 = arith.constant 0 : i32
        %dma_start3A_50 = tpu.memref_slice %arg9[%rem3A_24, %dma_start3A, %dma_start3A_49] : memref<8x80x64xf32, #tpu.memory_space<vmem>> -> memref<1x80x64xf32, #tpu.memory_space<vmem>>
        %dma_start3A_51 = tpu.memref_squeeze %dma_start3A_50 : memref<1x80x64xf32, #tpu.memory_space<vmem>> -> memref<80x64xf32, #tpu.memory_space<vmem>>
        %dma_start3A_52 = arith.constant 0 : i32
        %dma_start3A_53 = tpu.memref_slice %arg8[%sub3A_48, %dma_start3A_52] : memref<250x80xi32, #tpu.memory_space<vmem>> -> memref<1x80xi32, #tpu.memory_space<vmem>>
        %dma_start3A_54 = tpu.memref_squeeze %dma_start3A_53 : memref<1x80xi32, #tpu.memory_space<vmem>> -> memref<80xi32, #tpu.memory_space<vmem>>
        %dma_start3A_55 = arith.constant 0 : i32
        %dma_start3A_56 = arith.constant 0 : i32
        %dma_start3A_57 = tpu.memref_slice %arg10[%dma_start3A_55, %dma_start3A_56] : memref<10016x64xf32, #tpu.memory_space<vmem_shared>> -> memref<10016x64xf32, #tpu.memory_space<vmem_shared>>
        %dma_start3A_58 = tpu.memref_slice %arg12[%rem3A_24] : memref<8x!tpu.dma_semaphore, #tpu.memory_space<semaphore_mem>> -> memref<1x!tpu.dma_semaphore, #tpu.memory_space<semaphore_mem>>
        %dma_start3A_59 = tpu.memref_squeeze %dma_start3A_58 : memref<1x!tpu.dma_semaphore, #tpu.memory_space<semaphore_mem>> -> memref<!tpu.dma_semaphore, #tpu.memory_space<semaphore_mem>>
        tpu.enqueue_indirect_dma source(%dma_start3A_51 : memref<80x64xf32, #tpu.memory_space<vmem>>) target(%dma_start3A_57 : memref<10016x64xf32, #tpu.memory_space<vmem_shared>>) offsets(%dma_start3A_54 : memref<80xi32, #tpu.memory_space<vmem>>) semaphore(%dma_start3A_59 : memref<!tpu.dma_semaphore, #tpu.memory_space<semaphore_mem>>) {add = true}
      } else {
      }
    }
    %scan3A_7 = arith.constant 257 : i32
    %scan3A_8 = arith.constant 0 : i32
    %scan3A_9 = arith.constant 242 : i32
    %scan3A_10 = arith.constant 8 : i32
    %scan3A_11 = arith.addi %scan3A_9, %scan3A_10 : i32
    %scan3A_12 = arith.constant 1 : i32
    scf.for %scan3A_19 = %scan3A_9 to %scan3A_11 step %scan3A_12  : i32 {
      %rem3A = arith.constant 8 : i32
      %rem3A_20 = arith.remsi %scan3A_19, %rem3A : i32
      %dma_wait3A = arith.constant 0 : i32
      %dma_wait3A_21 = arith.constant 0 : i32
      %dma_wait3A_22 = arith.constant 0 : i32
      %dma_wait3A_23 = tpu.memref_slice %arg9[%rem3A_20, %dma_wait3A_21, %dma_wait3A_22] : memref<8x80x64xf32, #tpu.memory_space<vmem>> -> memref<1x80x64xf32, #tpu.memory_space<vmem>>
      %dma_wait3A_24 = tpu.memref_squeeze %dma_wait3A_23 : memref<1x80x64xf32, #tpu.memory_space<vmem>> -> memref<80x64xf32, #tpu.memory_space<vmem>>
      %dma_wait3A_25 = arith.constant 0 : i32
      %dma_wait3A_26 = tpu.memref_slice %arg8[%dma_wait3A, %dma_wait3A_25] : memref<250x80xi32, #tpu.memory_space<vmem>> -> memref<1x80xi32, #tpu.memory_space<vmem>>
      %dma_wait3A_27 = tpu.memref_squeeze %dma_wait3A_26 : memref<1x80xi32, #tpu.memory_space<vmem>> -> memref<80xi32, #tpu.memory_space<vmem>>
      %dma_wait3A_28 = arith.constant 0 : i32
      %dma_wait3A_29 = arith.constant 0 : i32
      %dma_wait3A_30 = tpu.memref_slice %arg10[%dma_wait3A_28, %dma_wait3A_29] : memref<10016x64xf32, #tpu.memory_space<vmem_shared>> -> memref<10016x64xf32, #tpu.memory_space<vmem_shared>>
      %dma_wait3A_31 = tpu.memref_slice %arg12[%rem3A_20] : memref<8x!tpu.dma_semaphore, #tpu.memory_space<semaphore_mem>> -> memref<1x!tpu.dma_semaphore, #tpu.memory_space<semaphore_mem>>
      %dma_wait3A_32 = tpu.memref_squeeze %dma_wait3A_31 : memref<1x!tpu.dma_semaphore, #tpu.memory_space<semaphore_mem>> -> memref<!tpu.dma_semaphore, #tpu.memory_space<semaphore_mem>>
      tpu.wait_indirect_dma semaphore(%dma_wait3A_32 : memref<!tpu.dma_semaphore, #tpu.memory_space<semaphore_mem>>) src(%dma_wait3A_24 : memref<80x64xf32, #tpu.memory_space<vmem>>) dst(%dma_wait3A_30 : memref<10016x64xf32, #tpu.memory_space<vmem_shared>>)
    }
    %scan3A_13 = arith.constant 8 : i32
    %barrier3A_14 = arith.constant 0 : index
    tpu.barrier barrier_id(%barrier3A_14)
    %mul3A_15 = arith.constant 625 : i32
    %mul3A_16 = arith.muli %arg1, %mul3A_15 : i32
    %mul3A_17 = arith.constant 625 : i32
    %mul3A_18 = arith.muli %arg1, %mul3A_17 : i32
    "tpu.region"() ({
      %run_scoped3A = tpu.sem_alloc : memref<!tpu.dma_semaphore, #tpu.memory_space<semaphore_mem>>
      %dma_start3A = arith.constant 0 : i32
      %dma_start3A_19 = tpu.memref_slice %arg6[%arg0, %mul3A_18, %dma_start3A] : memref<2x10000x64xf32, #tpu.memory_space<hbm>> -> memref<1x625x64xf32, #tpu.memory_space<hbm>>
      %dma_start3A_20 = tpu.memref_squeeze %dma_start3A_19 : memref<1x625x64xf32, #tpu.memory_space<hbm>> -> memref<625x64xf32, #tpu.memory_space<hbm>>
      %dma_start3A_21 = arith.constant 0 : i32
      %dma_start3A_22 = tpu.memref_slice %arg10[%mul3A_16, %dma_start3A_21] : memref<10016x64xf32, #tpu.memory_space<vmem_shared>> -> memref<625x64xf32, #tpu.memory_space<vmem_shared>>
      tpu.enqueue_dma source(%dma_start3A_22 : memref<625x64xf32, #tpu.memory_space<vmem_shared>>) target(%dma_start3A_20 : memref<625x64xf32, #tpu.memory_space<hbm>>) target_semaphore(%run_scoped3A : memref<!tpu.dma_semaphore, #tpu.memory_space<semaphore_mem>>)
      %dma_wait3A = arith.constant 0 : i32
      %dma_wait3A_23 = tpu.memref_slice %arg6[%arg0, %mul3A_18, %dma_wait3A] : memref<2x10000x64xf32, #tpu.memory_space<hbm>> -> memref<1x625x64xf32, #tpu.memory_space<hbm>>
      %dma_wait3A_24 = tpu.memref_squeeze %dma_wait3A_23 : memref<1x625x64xf32, #tpu.memory_space<hbm>> -> memref<625x64xf32, #tpu.memory_space<hbm>>
      %dma_wait3A_25 = arith.constant 0 : i32
      %dma_wait3A_26 = tpu.memref_slice %arg10[%mul3A_16, %dma_wait3A_25] : memref<10016x64xf32, #tpu.memory_space<vmem_shared>> -> memref<625x64xf32, #tpu.memory_space<vmem_shared>>
      tpu.wait_dma2 semaphore(%run_scoped3A : memref<!tpu.dma_semaphore, #tpu.memory_space<semaphore_mem>>) src(%dma_wait3A_26 : memref<625x64xf32, #tpu.memory_space<vmem_shared>>) dst(%dma_wait3A_24 : memref<625x64xf32, #tpu.memory_space<hbm>>)
      tpu.yield
    }) : () -> ()
    return
  }
}

module attributes {stable_mosaic.version = 14 : i64} {
  func.func @_mm_body(%arg0: i32, %arg1: memref<1000x128xf32, #tpu.memory_space<vmem>>, %arg2: memref<128x128xf32, #tpu.memory_space<vmem>>, %arg3: memref<2x1000x64xf32, #tpu.memory_space<vmem>>) attributes {dimension_semantics = [#tpu.dimension_semantics<arbitrary>], iteration_bounds = array<i64: 10>, scalar_prefetch = 0 : i64, scratch_operands = 0 : i64, tpu.core_type = #tpu.core_type<tc>, window_params = [{transform_indices = @transform_0, window_bounds = array<i64: 1000, 128>}, {pipeline_mode = #tpu.pipeline_mode<synchronous>, transform_indices = @transform_1, window_bounds = array<i64: 128, 128>}, {transform_indices = @transform_2, window_bounds = array<i64: 2, 1000, 64>}]} {
    %get3A = arith.constant 0 : index
    %get3A_0 = arith.constant 0 : index
    %get3A_1 = vector.load %arg1[%get3A, %get3A_0] : memref<1000x128xf32, #tpu.memory_space<vmem>>, vector<1000x128xf32>
    %get3A_2 = arith.constant 0 : index
    %get3A_3 = arith.constant 0 : index
    %get3A_4 = vector.load %arg2[%get3A_2, %get3A_3] : memref<128x128xf32, #tpu.memory_space<vmem>>, vector<128x128xf32>
    %dot_general3A = arith.constant dense<0.000000e+00> : vector<1000x128xf32>
    %dot_general3A_5 = tpu.matmul %get3A_1, %get3A_4, %dot_general3A {dimension_numbers = #tpu.dot_dimension_numbers<[1], [0], [0], [1], [0, 0, 1, 1], [], []>, transpose_lhs_hint = false} : vector<1000x128xf32>, vector<128x128xf32>, vector<1000x128xf32> -> vector<1000x128xf32>
    %slice3A = vector.extract_strided_slice %dot_general3A_5 {offsets = [0, 0], sizes = [1000, 64], strides = [1, 1]} : vector<1000x128xf32> to vector<1000x64xf32>
    %swap3A = arith.constant 0 : index
    %swap3A_6 = arith.constant 0 : index
    %swap3A_7 = arith.constant 0 : index
    %swap3A_8 = vector.load %arg3[%swap3A, %swap3A_6, %swap3A_7] : memref<2x1000x64xf32, #tpu.memory_space<vmem>>, vector<1x1000x64xf32>
    %swap3A_9 = vector.shape_cast %swap3A_8 : vector<1x1000x64xf32> to vector<1000x64xf32>
    %swap3A_10 = vector.shape_cast %slice3A : vector<1000x64xf32> to vector<1x1000x64xf32>
    tpu.vector_store %arg3[%swap3A, %swap3A_6, %swap3A_7], %swap3A_10 {strides = array<i32>} : memref<2x1000x64xf32, #tpu.memory_space<vmem>>, vector<1x1000x64xf32>,
    %slice3A_11 = vector.extract_strided_slice %dot_general3A_5 {offsets = [0, 64], sizes = [1000, 64], strides = [1, 1]} : vector<1000x128xf32> to vector<1000x64xf32>
    %swap3A_12 = arith.constant 1 : index
    %swap3A_13 = arith.constant 0 : index
    %swap3A_14 = arith.constant 0 : index
    %swap3A_15 = vector.load %arg3[%swap3A_12, %swap3A_13, %swap3A_14] : memref<2x1000x64xf32, #tpu.memory_space<vmem>>, vector<1x1000x64xf32>
    %swap3A_16 = vector.shape_cast %swap3A_15 : vector<1x1000x64xf32> to vector<1000x64xf32>
    %swap3A_17 = vector.shape_cast %slice3A_11 : vector<1000x64xf32> to vector<1x1000x64xf32>
    tpu.vector_store %arg3[%swap3A_12, %swap3A_13, %swap3A_14], %swap3A_17 {strides = array<i32>} : memref<2x1000x64xf32, #tpu.memory_space<vmem>>, vector<1x1000x64xf32>,
    return
  }
  func.func @transform_0(%arg0: i32) -> (i32, i32) {
    %c0_i32 = arith.constant 0 : i32
    %c0_i32_0 = arith.constant 0 : i32
    return %arg0, %c0_i32 : i32, i32
  }
  func.func @transform_1(%arg0: i32) -> (i32, i32) {
    %c0_i32 = arith.constant 0 : i32
    %c0_i32_0 = arith.constant 0 : i32
    %c0_i32_1 = arith.constant 0 : i32
    return %c0_i32, %c0_i32_0 : i32, i32
  }
  func.func @transform_2(%arg0: i32) -> (i32, i32, i32) {
    %c0_i32 = arith.constant 0 : i32
    %c0_i32_0 = arith.constant 0 : i32
    %c0_i32_1 = arith.constant 0 : i32
    return %c0_i32, %arg0, %c0_i32_0 : i32, i32, i32
  }
}

module attributes {stable_mosaic.version = 14 : i64} {
  func.func @_fused_body(%arg0: i32, %arg1: memref<2x1000x64xf32, #tpu.memory_space<vmem>>, %arg2: memref<2x1000x64xf32, #tpu.memory_space<vmem>>, %arg3: memref<1x128xf32, #tpu.memory_space<vmem>>, %arg4: memref<128x128xf32, #tpu.memory_space<vmem>>, %arg5: memref<2x1000x64xf32, #tpu.memory_space<vmem>>) attributes {dimension_semantics = [#tpu.dimension_semantics<arbitrary>], iteration_bounds = array<i64: 10>, scalar_prefetch = 0 : i64, scratch_operands = 0 : i64, tpu.core_type = #tpu.core_type<tc>, window_params = [{transform_indices = @transform_0, window_bounds = array<i64: 2, 1000, 64>}, {transform_indices = @transform_1, window_bounds = array<i64: 2, 1000, 64>}, {pipeline_mode = #tpu.pipeline_mode<synchronous>, transform_indices = @transform_2, window_bounds = array<i64: 1, 128>}, {pipeline_mode = #tpu.pipeline_mode<synchronous>, transform_indices = @transform_3, window_bounds = array<i64: 128, 128>}, {transform_indices = @transform_4, window_bounds = array<i64: 2, 1000, 64>}]} {
    %get3A = arith.constant 0 : index
    %get3A_0 = arith.constant 0 : index
    %get3A_1 = arith.constant 0 : index
    %get3A_2 = vector.load %arg1[%get3A, %get3A_0, %get3A_1] : memref<2x1000x64xf32, #tpu.memory_space<vmem>>, vector<1x1000x64xf32>
    %get3A_3 = vector.shape_cast %get3A_2 : vector<1x1000x64xf32> to vector<1000x64xf32>
    %get3A_4 = arith.constant 1 : index
    %get3A_5 = arith.constant 0 : index
    %get3A_6 = arith.constant 0 : index
    %get3A_7 = vector.load %arg1[%get3A_4, %get3A_5, %get3A_6] : memref<2x1000x64xf32, #tpu.memory_space<vmem>>, vector<1x1000x64xf32>
    %get3A_8 = vector.shape_cast %get3A_7 : vector<1x1000x64xf32> to vector<1000x64xf32>
    %concatenate3A = tpu.concatenate %get3A_3, %get3A_8 in 1 : vector<1000x64xf32>, vector<1000x64xf32> -> vector<1000x128xf32>
    %get3A_9 = arith.constant 0 : index
    %get3A_10 = arith.constant 0 : index
    %get3A_11 = arith.constant 0 : index
    %get3A_12 = vector.load %arg2[%get3A_9, %get3A_10, %get3A_11] : memref<2x1000x64xf32, #tpu.memory_space<vmem>>, vector<1x1000x64xf32>
    %get3A_13 = vector.shape_cast %get3A_12 : vector<1x1000x64xf32> to vector<1000x64xf32>
    %get3A_14 = arith.constant 1 : index
    %get3A_15 = arith.constant 0 : index
    %get3A_16 = arith.constant 0 : index
    %get3A_17 = vector.load %arg2[%get3A_14, %get3A_15, %get3A_16] : memref<2x1000x64xf32, #tpu.memory_space<vmem>>, vector<1x1000x64xf32>
    %get3A_18 = vector.shape_cast %get3A_17 : vector<1x1000x64xf32> to vector<1000x64xf32>
    %concatenate3A_19 = tpu.concatenate %get3A_13, %get3A_18 in 1 : vector<1000x64xf32>, vector<1000x64xf32> -> vector<1000x128xf32>
    %mul3A = arith.constant 1.000000e+00 : f32
    %mul3A_20 = vector.broadcast %mul3A : f32 to vector<1000x128xf32>
    %mul3A_21 = arith.mulf %mul3A_20, %concatenate3A : vector<1000x128xf32>
    %add3A = arith.addf %mul3A_21, %concatenate3A_19 : vector<1000x128xf32>
    %get3A_22 = arith.constant 0 : index
    %get3A_23 = arith.constant 0 : index
    %get3A_24 = vector.load %arg3[%get3A_22, %get3A_23] : memref<1x128xf32, #tpu.memory_space<vmem>>, vector<1x128xf32>
    %add3A_25 = vector.broadcast %get3A_24 : vector<1x128xf32> to vector<1000x128xf32>
    %add3A_26 = arith.addf %add3A, %add3A_25 : vector<1000x128xf32>
    %max3A = arith.constant 0.000000e+00 : f32
    %max3A_27 = vector.broadcast %max3A : f32 to vector<1000x128xf32>
    %max3A_28 = arith.maximumf %add3A_26, %max3A_27 : vector<1000x128xf32>
    %get3A_29 = arith.constant 0 : index
    %get3A_30 = arith.constant 0 : index
    %get3A_31 = vector.load %arg4[%get3A_29, %get3A_30] : memref<128x128xf32, #tpu.memory_space<vmem>>, vector<128x128xf32>
    %dot_general3A = arith.constant dense<0.000000e+00> : vector<1000x128xf32>
    %dot_general3A_32 = tpu.matmul %max3A_28, %get3A_31, %dot_general3A {dimension_numbers = #tpu.dot_dimension_numbers<[1], [0], [0], [1], [0, 0, 1, 1], [], []>, transpose_lhs_hint = false} : vector<1000x128xf32>, vector<128x128xf32>, vector<1000x128xf32> -> vector<1000x128xf32>
    %slice3A = vector.extract_strided_slice %dot_general3A_32 {offsets = [0, 0], sizes = [1000, 64], strides = [1, 1]} : vector<1000x128xf32> to vector<1000x64xf32>
    %swap3A = arith.constant 0 : index
    %swap3A_33 = arith.constant 0 : index
    %swap3A_34 = arith.constant 0 : index
    %swap3A_35 = vector.load %arg5[%swap3A, %swap3A_33, %swap3A_34] : memref<2x1000x64xf32, #tpu.memory_space<vmem>>, vector<1x1000x64xf32>
    %swap3A_36 = vector.shape_cast %swap3A_35 : vector<1x1000x64xf32> to vector<1000x64xf32>
    %swap3A_37 = vector.shape_cast %slice3A : vector<1000x64xf32> to vector<1x1000x64xf32>
    tpu.vector_store %arg5[%swap3A, %swap3A_33, %swap3A_34], %swap3A_37 {strides = array<i32>} : memref<2x1000x64xf32, #tpu.memory_space<vmem>>, vector<1x1000x64xf32>,
    %slice3A_38 = vector.extract_strided_slice %dot_general3A_32 {offsets = [0, 64], sizes = [1000, 64], strides = [1, 1]} : vector<1000x128xf32> to vector<1000x64xf32>
    %swap3A_39 = arith.constant 1 : index
    %swap3A_40 = arith.constant 0 : index
    %swap3A_41 = arith.constant 0 : index
    %swap3A_42 = vector.load %arg5[%swap3A_39, %swap3A_40, %swap3A_41] : memref<2x1000x64xf32, #tpu.memory_space<vmem>>, vector<1x1000x64xf32>
    %swap3A_43 = vector.shape_cast %swap3A_42 : vector<1x1000x64xf32> to vector<1000x64xf32>
    %swap3A_44 = vector.shape_cast %slice3A_38 : vector<1000x64xf32> to vector<1x1000x64xf32>
    tpu.vector_store %arg5[%swap3A_39, %swap3A_40, %swap3A_41], %swap3A_44 {strides = array<i32>} : memref<2x1000x64xf32, #tpu.memory_space<vmem>>, vector<1x1000x64xf32>,
    return
  }
  func.func @transform_0(%arg0: i32) -> (i32, i32, i32) {
    %c0_i32 = arith.constant 0 : i32
    %c0_i32_0 = arith.constant 0 : i32
    %c0_i32_1 = arith.constant 0 : i32
    return %c0_i32, %arg0, %c0_i32_0 : i32, i32, i32
  }
  func.func @transform_1(%arg0: i32) -> (i32, i32, i32) {
    %c0_i32 = arith.constant 0 : i32
    %c0_i32_0 = arith.constant 0 : i32
    %c0_i32_1 = arith.constant 0 : i32
    return %c0_i32, %arg0, %c0_i32_0 : i32, i32, i32
  }
  func.func @transform_2(%arg0: i32) -> (i32, i32) {
    %c0_i32 = arith.constant 0 : i32
    %c0_i32_0 = arith.constant 0 : i32
    %c0_i32_1 = arith.constant 0 : i32
    return %c0_i32, %c0_i32_0 : i32, i32
  }
  func.func @transform_3(%arg0: i32) -> (i32, i32) {
    %c0_i32 = arith.constant 0 : i32
    %c0_i32_0 = arith.constant 0 : i32
    %c0_i32_1 = arith.constant 0 : i32
    return %c0_i32, %c0_i32_0 : i32, i32
  }
  func.func @transform_4(%arg0: i32) -> (i32, i32, i32) {
    %c0_i32 = arith.constant 0 : i32
    %c0_i32_0 = arith.constant 0 : i32
    %c0_i32_1 = arith.constant 0 : i32
    return %c0_i32, %arg0, %c0_i32_0 : i32, i32, i32
  }
}

module attributes {stable_mosaic.version = 14 : i64} {
  func.func @_combine_body(%arg0: i32, %arg1: memref<2x1000x64xf32, #tpu.memory_space<vmem>>, %arg2: memref<2x1000x64xf32, #tpu.memory_space<vmem>>, %arg3: memref<1x128xf32, #tpu.memory_space<vmem>>, %arg4: memref<1000x128xf32, #tpu.memory_space<vmem>>) attributes {dimension_semantics = [#tpu.dimension_semantics<arbitrary>], iteration_bounds = array<i64: 10>, scalar_prefetch = 0 : i64, scratch_operands = 0 : i64, tpu.core_type = #tpu.core_type<tc>, window_params = [{transform_indices = @transform_0, window_bounds = array<i64: 2, 1000, 64>}, {transform_indices = @transform_1, window_bounds = array<i64: 2, 1000, 64>}, {pipeline_mode = #tpu.pipeline_mode<synchronous>, transform_indices = @transform_2, window_bounds = array<i64: 1, 128>}, {transform_indices = @transform_3, window_bounds = array<i64: 1000, 128>}]} {
    %get3A = arith.constant 0 : index
    %get3A_0 = arith.constant 0 : index
    %get3A_1 = arith.constant 0 : index
    %get3A_2 = vector.load %arg1[%get3A, %get3A_0, %get3A_1] : memref<2x1000x64xf32, #tpu.memory_space<vmem>>, vector<1x1000x64xf32>
    %get3A_3 = vector.shape_cast %get3A_2 : vector<1x1000x64xf32> to vector<1000x64xf32>
    %get3A_4 = arith.constant 1 : index
    %get3A_5 = arith.constant 0 : index
    %get3A_6 = arith.constant 0 : index
    %get3A_7 = vector.load %arg1[%get3A_4, %get3A_5, %get3A_6] : memref<2x1000x64xf32, #tpu.memory_space<vmem>>, vector<1x1000x64xf32>
    %get3A_8 = vector.shape_cast %get3A_7 : vector<1x1000x64xf32> to vector<1000x64xf32>
    %concatenate3A = tpu.concatenate %get3A_3, %get3A_8 in 1 : vector<1000x64xf32>, vector<1000x64xf32> -> vector<1000x128xf32>
    %get3A_9 = arith.constant 0 : index
    %get3A_10 = arith.constant 0 : index
    %get3A_11 = arith.constant 0 : index
    %get3A_12 = vector.load %arg2[%get3A_9, %get3A_10, %get3A_11] : memref<2x1000x64xf32, #tpu.memory_space<vmem>>, vector<1x1000x64xf32>
    %get3A_13 = vector.shape_cast %get3A_12 : vector<1x1000x64xf32> to vector<1000x64xf32>
    %get3A_14 = arith.constant 1 : index
    %get3A_15 = arith.constant 0 : index
    %get3A_16 = arith.constant 0 : index
    %get3A_17 = vector.load %arg2[%get3A_14, %get3A_15, %get3A_16] : memref<2x1000x64xf32, #tpu.memory_space<vmem>>, vector<1x1000x64xf32>
    %get3A_18 = vector.shape_cast %get3A_17 : vector<1x1000x64xf32> to vector<1000x64xf32>
    %concatenate3A_19 = tpu.concatenate %get3A_13, %get3A_18 in 1 : vector<1000x64xf32>, vector<1000x64xf32> -> vector<1000x128xf32>
    %mul3A = arith.constant 1.000000e+00 : f32
    %mul3A_20 = vector.broadcast %mul3A : f32 to vector<1000x128xf32>
    %mul3A_21 = arith.mulf %mul3A_20, %concatenate3A : vector<1000x128xf32>
    %add3A = arith.addf %mul3A_21, %concatenate3A_19 : vector<1000x128xf32>
    %get3A_22 = arith.constant 0 : index
    %get3A_23 = arith.constant 0 : index
    %get3A_24 = vector.load %arg3[%get3A_22, %get3A_23] : memref<1x128xf32, #tpu.memory_space<vmem>>, vector<1x128xf32>
    %add3A_25 = vector.broadcast %get3A_24 : vector<1x128xf32> to vector<1000x128xf32>
    %add3A_26 = arith.addf %add3A, %add3A_25 : vector<1000x128xf32>
    %swap3A = arith.constant 0 : index
    %swap3A_27 = arith.constant 0 : index
    %swap3A_28 = vector.load %arg4[%swap3A, %swap3A_27] : memref<1000x128xf32, #tpu.memory_space<vmem>>, vector<1000x128xf32>
    tpu.vector_store %arg4[%swap3A, %swap3A_27], %add3A_26 {strides = array<i32>} : memref<1000x128xf32, #tpu.memory_space<vmem>>, vector<1000x128xf32>,
    return
  }
  func.func @transform_0(%arg0: i32) -> (i32, i32, i32) {
    %c0_i32 = arith.constant 0 : i32
    %c0_i32_0 = arith.constant 0 : i32
    %c0_i32_1 = arith.constant 0 : i32
    return %c0_i32, %arg0, %c0_i32_0 : i32, i32, i32
  }
  func.func @transform_1(%arg0: i32) -> (i32, i32, i32) {
    %c0_i32 = arith.constant 0 : i32
    %c0_i32_0 = arith.constant 0 : i32
    %c0_i32_1 = arith.constant 0 : i32
    return %c0_i32, %arg0, %c0_i32_0 : i32, i32, i32
  }
  func.func @transform_2(%arg0: i32) -> (i32, i32) {
    %c0_i32 = arith.constant 0 : i32
    %c0_i32_0 = arith.constant 0 : i32
    %c0_i32_1 = arith.constant 0 : i32
    return %c0_i32, %c0_i32_0 : i32, i32
  }
  func.func @transform_3(%arg0: i32) -> (i32, i32) {
    %c0_i32 = arith.constant 0 : i32
    %c0_i32_0 = arith.constant 0 : i32
    return %arg0, %c0_i32 : i32, i32
  }
}

</mosaic_0001>

<sc_bundles>
// kernel: kernel.10.cloned.1.call-start
scs
__scs_entry_jumppad:
0x0: {  	(pc) =	sbr.rel $0x88, $3  }
0x1: {  	(tag) =	ssettag $0x0;
	lr =	simm.s32 $0x1  }
0x2: {  	[smem:$0x3F9B] =	sst lr;
	_ =	strace $0xD0000000  }
0x3: {  	_ = 	snop  }
0x4: {  	_ = 	snop  }
0x5: {  	_ = 	snop  }
0x6: {  	_ = 	snop  }
0x7: {  	_ = 	snop  }
__scs_overlays_trampoline_lowered:
0x8: {  	[smem:$0x3FAA] =	sst s0  }
0x9: {  	[smem:$0x3FAB] =	sst s1  }
0xa: {  	[smem:$0x3FAC] =	sst s2  }
0xb: {  	[smem:$0x3FAD] =	sst s3  }
0xc: {  	[smem:$0x3FAE] =	sst s4  }
0xd: {  	[smem:$0x3FAF] =	sst s5  }
0xe: {  	[smem:$0x3FB0] =	sst s6  }
0xf: {  	[smem:$0x3FB1] =	sst s7  }
0x10: {  	[smem:$0x3FB2] =	sst s8  }
0x11: {  	[smem:$0x3FB3] =	sst s9;
	s0 =	simm.s32 @!p0 $0x0  }
0x12: {  	s1 =	sld [smem:$0x3F99];
	s0 =	simm.s32 @p0 $0x1  }
0x13: {  	[smem:$0x3FB4] =	sst s0;
	s0 =	simm.s32 @!p1 $0x0  }
0x14: {  	s2 =	sld [smem:$0x3F98];
	s0 =	simm.s32 @p1 $0x1  }
0x15: {  	[smem:$0x3FB5] =	sst s0;
	s0 =	simm.s32 @!p2 $0x0  }
0x16: {  	s3 =	sld [smem:$0x3FDB];
	s0 =	simm.s32 @p2 $0x1  }
0x17: {  	s4 =	simm.s32 $0x1BF5;
	[smem:$0x3FB7] =	sst s0  }
0x18: {  	s0 =	sld [smem:$0x3F9A];
	_ =	swait.ge [sflag:s4], $0x0  }
0x19: {  	s7 =	sld [smem:$0x3F9B]  }
0x1a: {  	s8 =	sadd.s32 $0xFFFFE003, lr  }
0x1b: {  	s9 =	sadd.s32 $0xFFFFFEF7, lr;
	s5 =	simm.s32 $0xFFFFFFFF;
	p2 =	slt.u32 s8, $0xFFFFF086  }
0x1c: {  	p1 =	slt.u32 s9, $0xF7A;
	s5 =	simm.s32 @!p2 $0x0  }
0x1d: {  	s5 =	simm.s32 @p1 $0x1;
	p0 =	seq.s32 s7, s2  }
0x1e: {  	s7 =	smul.u32 @!p0 $0xF7A, s2;
	p2 =	seq.s32 @!p0 s5, $0x0  }
0x1f: {  	s9 =	smul.u32 $0xF7A, s1;
	s8 =	simm.s32 @!p0 $0x1BF5;
	p2 =	por !p2, p0  }
0x20: {  	[sflag:s8] =	ssyncset.s32 @!p0 $0xFFFFF086;
	s6 =	sadd.s32 @!p0 s3, s7;
	s7 =	simm.s32 @!p0 $0x108  }
0x21: {  	s3 =	sadd.s32 s3, s9;
	s6 =	sadd.s32 @!p0 $0x88, s6;
	s7 =	simm.s32 @p2 $0x1082  }
0x22: {  	[simem:s7], [sflag:s8] =	dma.local @!p0 [hbm:s6], $0xF7A  }
0x23: {  	s9 =	sor.u32 $0xD0000000, s2;
	s6 =	simm.s32 $0x108;
	_ =	swait.ge @!p0 [sflag:s8], $0x0  }
0x24: {  	s3 =	sadd.s32 $0x88, s3;
	s6 =	simm.s32 @!p1 $0x1082;
	[sflag:s4] =	ssyncset.s32 $0xFFFFF086  }
0x25: {  	[simem:s6], [sflag:s4] =	dma.local [hbm:s3], $0xF7A  }
0x26: {  	[smem:$0x3F9B] =	sst s1;
	(tag) =	ssettag s2;
	_ =	strace s9  }
0x27: {  	s1 =	sld [smem:$0x3FAB]  }
0x28: {  	s2 =	sld [smem:$0x3FAC]  }
0x29: {  	s4 =	sld [smem:$0x3FAE]  }
0x2a: {  	p0 =	seq.s32 s5, $0x0;
	s5 =	sld [smem:$0x3FAF]  }
0x2b: {  	s6 =	sld [smem:$0x3FB0]  }
0x2c: {  	s7 =	sld [smem:$0x3FB1]  }
0x2d: {  	s3 =	simm.s32 $0x108;
	s8 =	sld [smem:$0x3FB2]  }
0x2e: {  	s3 =	simm.s32 @!p0 $0x1082;
	s9 =	sld [smem:$0x3FB3]  }
0x2f: {  	lr =	sadd.s32 s0, s3;
	s0 =	sld [smem:$0x3FAA]  }
0x30: {  	s3 =	sld [smem:$0x3FAD]  }
0x31: {  	[smem:$0x3FB6] =	sst s10  }
0x32: {  	s10 =	sld [smem:$0x3FB4];
	_ =	sdelay $0x3  }
0x33: {  	p0 =	seq.s32 s10, $0x1;
	s10 =	sld [smem:$0x3FB6];
	_ =	sdelay $0x3  }
0x34: {  	[smem:$0x3FB6] =	sst s10  }
0x35: {  	s10 =	sld [smem:$0x3FB5];
	_ =	sdelay $0x3  }
0x36: {  	p1 =	seq.s32 s10, $0x1;
	s10 =	sld [smem:$0x3FB6];
	_ =	sdelay $0x3  }
0x37: {  	[smem:$0x3FB6] =	sst s10  }
0x38: {  	s10 =	sld [smem:$0x3FB7]  }
0x39: {  	_ = 	snop;
	(pc) =	sbr.ind lr, $3  }
0x3a: {  	_ = 	snop  }
0x3b: {  	_ = 	snop  }
0x3c: {  	p2 =	seq.s32 s10, $0x1;
	s10 =	sld [smem:$0x3FB6]  }
0x3d: {  	_ =	shalt  }
0x3e: {  	_ =	shalt  }
0x3f: {  	_ =	shalt  }
0x40: {  	_ =	shalt  }
0x41: {  	_ =	shalt  }
0x42: {  	_ =	shalt  }
0x43: {  	_ =	shalt  }
0x44: {  	_ =	shalt  }
0x45: {  	_ =	shalt  }
0x46: {  	_ =	shalt  }
0x47: {  	_ =	shalt  }
0x48: {  	_ =	shalt  }
0x49: {  	_ =	shalt  }
0x4a: {  	_ =	shalt  }
0x4b: {  	_ =	shalt  }
0x4c: {  	_ =	shalt  }
0x4d: {  	_ =	shalt  }
0x4e: {  	_ =	shalt  }
0x4f: {  	_ =	shalt  }
0x50: {  	_ =	shalt  }
0x51: {  	_ =	shalt  }
0x52: {  	_ =	shalt  }
0x53: {  	_ =	shalt  }
0x54: {  	_ =	shalt  }
0x55: {  	_ =	shalt  }
0x56: {  	_ =	shalt  }
0x57: {  	_ =	shalt  }
0x58: {  	_ =	shalt  }
0x59: {  	_ =	shalt  }
0x5a: {  	_ =	shalt  }
0x5b: {  	_ =	shalt  }
0x5c: {  	_ =	shalt  }
0x5d: {  	_ =	shalt  }
0x5e: {  	_ =	shalt  }
0x5f: {  	_ =	shalt  }
0x60: {  	_ =	shalt  }
0x61: {  	_ =	shalt  }
0x62: {  	_ =	shalt  }
0x63: {  	_ =	shalt  }
0x64: {  	_ =	shalt  }
0x65: {  	_ =	shalt  }
0x66: {  	_ =	shalt  }
0x67: {  	_ =	shalt  }
0x68: {  	_ =	shalt  }
0x69: {  	_ =	shalt  }
0x6a: {  	_ =	shalt  }
0x6b: {  	_ =	shalt  }
0x6c: {  	_ =	shalt  }
0x6d: {  	_ =	shalt  }
0x6e: {  	_ =	shalt  }
0x6f: {  	_ =	shalt  }
0x70: {  	_ =	shalt  }
0x71: {  	_ =	shalt  }
0x72: {  	_ =	shalt  }
0x73: {  	_ =	shalt  }
0x74: {  	_ =	shalt  }
0x75: {  	_ =	shalt  }
0x76: {  	_ =	shalt  }
0x77: {  	_ =	shalt  }
0x78: {  	_ =	shalt  }
0x79: {  	_ =	shalt  }
0x7a: {  	_ =	shalt  }
0x7b: {  	_ =	shalt  }
0x7c: {  	_ =	shalt  }
0x7d: {  	_ =	shalt  }
0x7e: {  	_ =	shalt  }
0x7f: {  	_ =	shalt  }
0x80: {  	_ =	shalt  }
0x81: {  	_ =	shalt  }
0x82: {  	_ =	shalt  }
0x83: {  	_ =	shalt  }
0x84: {  	_ =	shalt  }
0x85: {  	_ =	shalt  }
0x86: {  	_ =	shalt  }
0x87: {  	_ =	shalt  }
.Lfunc_end0:
.L_simem_size_0:
called_computation.1_lowered:
.L_overlay_start_0:
0x88: {  	s2 =	sld [smem:$0x3FD9]  }
0x89: {  	s3 =	sld [smem:$0x3FFE];
	_ =	sdelay $0x1  }
0x8a: {  	s1 =	srdreg.scid  }
0x8b: {  	s0 =	sand.u32 $0x1, s1  }
0x8c: {  	s17 =	sshll.u32 s0, $0xA;
	s2 =	sadd.s32 s3, s2  }
0x8d: {  	s2 =	sadd.s32 s2, s17  }
0x8e: {  	[smem:$0x3FC2] =	sst s2  }
0x8f: {  	_ = 	snop  }
0x90: {  	s2 =	sld [smem:$0x3FD0];
	(tm) =	ssettm $0x1  }
0x91: {  	s18 =	sld [smem:$0x3FFB];
	_ =	sdelay $0x3  }
0x92: {  	_ =	strace s18  }
0x93: {  	s3 =	sld [smem:$0x3FFC];
	_ =	sdelay $0x3  }
0x94: {  	_ =	strace s3  }
0x95: {  	s3 =	sld [smem:$0x3FFD];
	_ =	sdelay $0x3  }
0x96: {  	_ =	strace s3  }
0x97: {  	_ =	strace $0x8FFFFFFF  }
0x98: {  	s19 =	sld [smem:$0x3FDB];
	_ =	sdelay $0x1  }
0x99: {  	s4 =	simm.s32 $_scs_section_size  }
0x9a: {  	s5 =	simm.s32 $_size__tile_overlayer_lowered;
	s6 =	simm.s32 $_tile_overlayer_lowered  }
0x9b: {  	s22 =	simm.s32 $0x1BFF;
	s21 =	sshll.u32 s6, $0x1;
	s3 =	sadd.s32 s4, s19  }
0x9c: {  	s7 =	simm.s32 $0x0;
	s20 =	sshll.u32 s5, $0x1;
	s5 =	sadd.s32 s21, s3  }
0x9d: {  	[timem:s7], [sflag:s22] =	dma.local [hbm:s5], s20  }
0x9e: {  	_ =	swait.ge [sflag:s22], s20  }
0x9f: {  	s4 =	ssub.s32 $0x0, s20;
	[sflag:s22] =	ssyncset.done $0x0  }
0xa0: {  	[sflag:s22] =	ssyncadd.s32 s4;
	_ =	sdelay $0x1  }
0xa1: {  	s23 =	simm.s32 $0x1B8B  }
0xa2: {  	_ =	swait.ge [sflag:s23], $0x1  }
0xa3: {  	[sflag:s23] =	ssyncset.done $0x0  }
0xa4: {  	s25 =	simm.s32 $0x1B8E;
	s24 =	sld [smem:$0x3FFE];
	[sflag:s23] =	ssyncadd.s32 $0xFFFFFFFF  }
0xa5: {  	s26 =	simm.s32 $execute0_lowered;
	[smem:$0x3FD2] =	sst s25  }
0xa6: {  	s5 =	sshll.u32 s26, $0x1;
	_ =	strace $0x80000049;
	[dreg:$0x1] =	wrdreg $0xFFFFFFFF  }
0xa7: {  	s28 =	simm.s32 $_size_execute0_lowered;
	s3 =	sadd.s32 s3, s5;
	[dreg:$0x0] =	wrdreg $0x0  }
0xa8: {  	s5 =	sshll.u32 s28, $0x1;
	[dreg:$0x2] =	wrdreg s3  }
0xa9: {  	[dreg:$0x3] =	wrdreg s5  }
0xaa: {  	[dreg:$0x4] =	wrdreg $0xC0  }
0xab: {  	_ =	task [dreg:s7], $0x5FFFF  }
0xac: {  	[dreg:$0x1] =	wrdreg $0xFFFFFFFF  }
0xad: {  	[dreg:$0x0] =	wrdreg $0x60  }
0xae: {  	[dreg:$0x2] =	wrdreg s2  }
0xaf: {  	[dreg:$0x3] =	wrdreg s24  }
0xb0: {  	[dreg:$0x4] =	wrdreg $0x13C400  }
0xb1: {  	[dreg:$0x5] =	wrdreg $0x9  }
0xb2: {  	_ =	task.clear_ibuf [dreg:s7], $0x6FFFF;
	_ =	strace $0x90000049  }
0xb3: {  	s29 =	simm.s32 $0x9;
	_ =	strace $0x8000004B  }
0xb4: {  	_ =	swait.ge [sflag:s29], $0x1  }
0xb5: {  	[sflag:s29] =	ssyncadd.s32 $0xFFFFFFFF  }
0xb6: {  	_ =	strace $0x9000004B  }
0xb7: {  	_ =	sfence  }
0xb8: {  	s30 =	sld [smem:$0x0];
	_ =	sdelay $0x2  }
0xb9: {  	s31 =	sshll.u32 s1, $0xD;
	s1 =	sshrl.u32 s1, $0x2  }
0xba: {  	s3 =	sand.u32 $0x4000, s31;
	s1 =	sadd.s32 s1, s30  }
0xbb: {  	s0 =	sor.u32 s3, s0;
	s1 =	sshll.u32 s1, $0x11  }
0xbc: {  	s0 =	sor.u32 s1, s0  }
0xbd: {  	s0 =	sadd.s32 $0x8F2B, s0  }
0xbe: {  	[sflag:s0] =	ssyncadd.remote.s32 $0x1  }
0xbf: {  	_ =	sfence.sel $0xFFFF  }
0xc0: {  	[dreg:$0x0] =	wrdreg $0xFFFFFFFF;
	(pc) =	sbr.abs _section_cstart, $3  }
0xc1: {  	[dreg:$0x1] =	wrdreg $0xFFFFFFFF  }
0xc2: {  	_ =	task.clear_ibuf [dreg:s7], $0x2FFFF;
	_ =	strace $0x9FFFFFFF  }
0xc3: {  	(tm) =	ssettm $0x7FFFFFFF  }
tec
execute0_lowered:
.L_overlay_start_1:
0x0: {  	(tag) =	ssettag $0x1  }
0x1: {  	s7 =	rddreg [dreg:$0x0]  }
0x2: {  	s4 =	rddreg [dreg:$0x1];
	s0 =	stileid.u32  }
0x3: {  	s1 =	srdreg.scid;
	s2 =	rddreg [dreg:$0x2];
	s3 =	simm.s32 $0x0  }
0x4: {  	s14 =	simm.s32 $0x50;
	s15 =	simm.s32 $0xB;
	s16 =	simm.s32 $0xC  }
0x5: {  	s17 =	simm.s32 $0xD;
	s18 =	simm.s32 $0xE;
	s19 =	simm.s32 $0xF  }
0x6: {  	s20 =	simm.s32 $0x10;
	s21 =	simm.s32 $0x9;
	s22 =	simm.s32 $0xA  }
0x7: {  	s5 =	smul.u32 $0x9C4, s0;
	s8 =	sand.u32 $0x1, s1;
	s1 =	rddreg [dreg:$0x3]  }
0x8: {  	s23 =	simm.s32 $0x0;
	s6 =	smul.u32 $0x9C40, s0;
	[smem:$0x7FF] =	sst s3  }
0x9: {  	s12 =	sshll.u32 s0, $0x6;
	s9 =	smul.u32 $0x9C400, s8;
	_ =	strace $0x8000004A  }
0xa: {  	s11 =	ssub.s32 $0x2, s8;
	s8 =	smul.u32 $0x13880, s8;
	s12 =	sor.u32 $0x1C11, s12  }
0xb: {  	s5 =	sadd.s32 s5, s4;
	s10 =	sshrl.u32 s6, $0x3;
	s31 =	sshrl.u32 s11, $0x1  }
0xc: {  	s13 =	sadd.s32 s6, s2;
	s9 =	sadd.s32 s6, s9;
	s10 =	sadd.s32 s10, s4  }
0xd: {  	s11 =	ssub.s32 s11, s31;
	s7 =	sadd.s32 s7, s8;
	s13 =	sshrl.u32 s13, $0x3  }
0xe: {  	s9 =	sshrl.u32 s9, $0x3;
	s6 =	sadd.s32 $0x62C00, s10;
	s10 =	simm.s32 $0x11  }
0xf: {  	s9 =	sadd.s32 s9, s4;
	s4 =	sadd.s32 $0xAC00, s5;
	s5 =	sadd.s32 $0xE00, s5  }
0x10: {  	s8 =	sadd.s32 $0x14A00, s9;
	s9 =	smax.u32 s11, $0x1;
	s11 =	simm.s32 $0x4E20  }
.LBB2_1:
0x11: {  	[tilespmem:s3], [sflag:$0x11] =	stream.linear.gather [hbm4b:s4+s3], $0x4E20, $0x38;
	[tilespmem:$0x1D8C0] =	vst v63  }
0x12: {  	_ =	swait.ge [sflag:s10], $0x4E20  }
0x13: {  	[sflag:s10] =	ssyncset.done $0x0  }
0x14: {  	[sflag:s10] =	ssyncadd.s32 $0xFFFFB1E0  }
0x15: {  	[tilespmem:s11], [sflag:$0x11] =	stream.linear.gather [hbm4b:s5+s3], $0x4E20, $0x38;
	[tilespmem:$0x1D8C0] =	vst v63  }
0x16: {  	_ =	swait.ge [sflag:s10], $0x4E20  }
0x17: {  	[sflag:s10] =	ssyncset.done $0x0  }
0x18: {  	[sflag:s10] =	ssyncadd.s32 $0xFFFFB1E0  }
0x19: {  	[spmem:s13], [sflag:s12] =	dma.local [hbm:s6], $0x1388  }
0x1a: {  	_ =	swait.ge [sflag:s10], $0x1388  }
0x1b: {  	[sflag:s10] =	ssyncset.done $0x0  }
0x1c: {  	s24 =	simm.s32 $0x4BF0;
	[sflag:s10] =	ssyncadd.s32 $0xFFFFEC78  }
0x1d: {  	s25 =	simm.s32 $0x0;
	s26 =	simm.s32 $0x0;
	[bflag:$0x0] =	sbarrier.arrive $0xFFFF  }
.LBB2_2:
0x1e: {  	p0 =	sgt.u32 s26, $0xF9  }
0x1f: {  	p1 =	slt.u32 @!p0 s26, $0x8  }
0x20: {  	s28 =	sand.u32 $0x7, s26;
	p1 =	por p1, p0  }
0x21: {  	s29 =	sadd.s32 @!p1 $0x9, s28  }
0x22: {  	s30 =	smul.u32 @!p0 $0x5000, s28;
	_ =	swait.ge @!p1 [sflag:s29], $0x1400  }
0x23: {  	[sflag:s29] =	ssyncset.done @!p1 $0x0  }
0x24: {  	s28 =	sadd.s32 @!p0 $0x1, s28;
	[sflag:s29] =	ssyncadd.s32 @!p1 $0xFFFFEC00;
	s29 =	sshrl.u32 @!p0 s30, $0x2  }
0x25: {  	s30 =	simm.s32 @!p0 $0x50;
	p1 =	slt.u32 @!p0 s26, $0x7;
	s29 =	sadd.s32 @!p0 $0x9C40, s29  }
0x26: {  	[tilespmem:s29], [sflag:s28] =	stream.indirect.gather @!p0 [hbm4b:s7+s30], $0x40, s25, s30, $0xb8;
	[tilespmem:$0x1D8C0] =	vst v63  }
0x27: {  	s26 =	sadd.s32 $0x1, s26;
	p0 =	por p0, !p1  }
0x28: {  	s28 =	sand.u32 @p0 $0x7, s26  }
0x29: {  	s29 =	smul.u32 @p0 $0x5000, s28;
	s30 =	sadd.s32 @p0 $0x1, s28  }
0x2a: {  	_ =	swait.ge @p0 [sflag:s30], $0x1400  }
0x2b: {  	s29 =	sshrl.u32 @p0 s29, $0x2;
	[sflag:s30] =	ssyncset.done @p0 $0x0  }
0x2c: {  	s28 =	sadd.s32 @p0 $0x9, s28;
	s29 =	sadd.s32 @p0 $0x9C40, s29;
	[sflag:s30] =	ssyncadd.s32 @p0 $0xFFFFEC00  }
0x2d: {  	[spmem:s2] =	stream.indirect.scatter.add.f32 @p0 [tilespmem:s29], [sflag:s28], $0x40, s24, s14, $0xb8;
	[tilespmem:$0x1D8C0] =	vst v63  }
0x2e: {  	p0 =	sne.s32 s26, $0x101  }
.Ltmp0:
0x2f: {  	_ = 	snop;
	(pc) =	sbr.rel @p0 .LBB2_2-.Ltmp0, $2  }
0x30: {  	_ =	sdelay $0x2  }
0x31: {  	s25 =	sadd.s32 $0x50, s25;
	s24 =	sadd.s32 $0x50, s24  }
0x32: {  	_ =	swait.ge [sflag:s15], $0x1400  }
0x33: {  	[sflag:s15] =	ssyncset.done $0x0  }
0x34: {  	[sflag:s15] =	ssyncadd.s32 $0xFFFFEC00  }
0x35: {  	_ =	swait.ge [sflag:s16], $0x1400  }
0x36: {  	[sflag:s16] =	ssyncset.done $0x0  }
0x37: {  	[sflag:s16] =	ssyncadd.s32 $0xFFFFEC00  }
0x38: {  	_ =	swait.ge [sflag:s17], $0x1400  }
0x39: {  	[sflag:s17] =	ssyncset.done $0x0  }
0x3a: {  	[sflag:s17] =	ssyncadd.s32 $0xFFFFEC00  }
0x3b: {  	_ =	swait.ge [sflag:s18], $0x1400  }
0x3c: {  	[sflag:s18] =	ssyncset.done $0x0  }
0x3d: {  	[sflag:s18] =	ssyncadd.s32 $0xFFFFEC00  }
0x3e: {  	_ =	swait.ge [sflag:s19], $0x1400  }
0x3f: {  	[sflag:s19] =	ssyncset.done $0x0  }
0x40: {  	[sflag:s19] =	ssyncadd.s32 $0xFFFFEC00  }
0x41: {  	_ =	swait.ge [sflag:s20], $0x1400  }
0x42: {  	[sflag:s20] =	ssyncset.done $0x0  }
0x43: {  	[sflag:s20] =	ssyncadd.s32 $0xFFFFEC00  }
0x44: {  	_ =	swait.ge [sflag:s21], $0x1400  }
0x45: {  	[sflag:s21] =	ssyncset.done $0x0  }
0x46: {  	[sflag:s21] =	ssyncadd.s32 $0xFFFFEC00  }
0x47: {  	_ =	swait.ge [sflag:s22], $0x1400  }
0x48: {  	s23 =	sadd.s32 $0x1, s23;
	[sflag:s22] =	ssyncset.done $0x0  }
0x49: {  	p0 =	sne.s32 s23, s9;
	[sflag:s22] =	ssyncadd.s32 $0xFFFFEC00  }
.Ltmp1:
0x4a: {  	[bflag:$0x0] =	sbarrier.arrive $0xFFFF;
	(pc) =	sbr.rel @p0 .LBB2_1-.Ltmp1, $4  }
0x4b: {  	[hbm:s8], [sflag:s12] =	dma.local [spmem:s13], $0x1388  }
0x4c: {  	_ =	swait.ge [sflag:s10], $0x1388  }
0x4d: {  	[sflag:s10] =	ssyncset.done $0x0  }
0x4e: {  	[sflag:s10] =	ssyncadd.s32 $0xFFFFEC78  }
0x4f: {  	_ =	sfence.sel $0x180000  }
0x50: {  	[bflag:$0x0] =	sbarrier.arrive $0xFFFF  }
0x51: {  	p0 =	sne.s32 s0, $0x0;
	_ =	strace $0x9000004A  }
0x52: {  	s0 =	sadd.s32 @!p0 $0x100000, s1;
	[bflag:$0x2] =	sbarrier.arrive $0xFFFF  }
0x53: {  	[sflag:s0] =	ssyncadd.tile.s32 @!p0 $0x1;
	_ =	shalt  }
.Lfunc_end2:
_tile_overlayer_lowered:
.L_overlay_start_2:
0x54: {  	(tag) =	ssettag $0x2  }
0x55: {  	s0 =	rddreg [dreg:$0x0];
	s2 =	stileid.u32  }
0x56: {  	s1 =	rddreg [dreg:$0x1];
	p0 =	sne.s32 s2, $0x0  }
0x57: {  	s3 =	rddreg [dreg:$0x2];
	[bflag:$0x3] =	sbarrier.arrive $0xFFFF;
	s2 =	simm.s32 @!p0 $0x1C11  }
0x58: {  	[timem:s3], [sflag:s2] =	dma.local @!p0 [hbm:s0], s1  }
0x59: {  	s0 =	simm.s32 @!p0 $0x11  }
0x5a: {  	_ =	swait.ge @!p0 [sflag:s0], s1  }
0x5b: {  	s1 =	ssub.s32 @!p0 $0x0, s1;
	[sflag:s0] =	ssyncset.done @!p0 $0x0  }
0x5c: {  	[sflag:s0] =	ssyncadd.s32 @!p0 s1  }
0x5d: {  	[bflag:$0x3] =	sbarrier.arrive $0xFFFF  }
0x5e: {  	_ =	shalt  }

// kernel: kernel.7.cloned.1.call-start
scs
__scs_entry_jumppad:
0x0: {  	(pc) =	sbr.rel $0x88, $3  }
0x1: {  	(tag) =	ssettag $0x0;
	lr =	simm.s32 $0x1  }
0x2: {  	[smem:$0x3F9B] =	sst lr;
	_ =	strace $0xD0000000  }
0x3: {  	_ = 	snop  }
0x4: {  	_ = 	snop  }
0x5: {  	_ = 	snop  }
0x6: {  	_ = 	snop  }
0x7: {  	_ = 	snop  }
__scs_overlays_trampoline_lowered:
0x8: {  	[smem:$0x3FAA] =	sst s0  }
0x9: {  	[smem:$0x3FAB] =	sst s1  }
0xa: {  	[smem:$0x3FAC] =	sst s2  }
0xb: {  	[smem:$0x3FAD] =	sst s3  }
0xc: {  	[smem:$0x3FAE] =	sst s4  }
0xd: {  	[smem:$0x3FAF] =	sst s5  }
0xe: {  	[smem:$0x3FB0] =	sst s6  }
0xf: {  	[smem:$0x3FB1] =	sst s7  }
0x10: {  	[smem:$0x3FB2] =	sst s8  }
0x11: {  	[smem:$0x3FB3] =	sst s9;
	s0 =	simm.s32 @!p0 $0x0  }
0x12: {  	s1 =	sld [smem:$0x3F99];
	s0 =	simm.s32 @p0 $0x1  }
0x13: {  	[smem:$0x3FB4] =	sst s0;
	s0 =	simm.s32 @!p1 $0x0  }
0x14: {  	s2 =	sld [smem:$0x3F98];
	s0 =	simm.s32 @p1 $0x1  }
0x15: {  	[smem:$0x3FB5] =	sst s0;
	s0 =	simm.s32 @!p2 $0x0  }
0x16: {  	s3 =	sld [smem:$0x3FDB];
	s0 =	simm.s32 @p2 $0x1  }
0x17: {  	s4 =	simm.s32 $0x1BF5;
	[smem:$0x3FB7] =	sst s0  }
0x18: {  	s0 =	sld [smem:$0x3F9A];
	_ =	swait.ge [sflag:s4], $0x0  }
0x19: {  	s7 =	sld [smem:$0x3F9B]  }
0x1a: {  	s8 =	sadd.s32 $0xFFFFE003, lr  }
0x1b: {  	s9 =	sadd.s32 $0xFFFFFEF7, lr;
	s5 =	simm.s32 $0xFFFFFFFF;
	p2 =	slt.u32 s8, $0xFFFFF086  }
0x1c: {  	p1 =	slt.u32 s9, $0xF7A;
	s5 =	simm.s32 @!p2 $0x0  }
0x1d: {  	s5 =	simm.s32 @p1 $0x1;
	p0 =	seq.s32 s7, s2  }
0x1e: {  	s7 =	smul.u32 @!p0 $0xF7A, s2;
	p2 =	seq.s32 @!p0 s5, $0x0  }
0x1f: {  	s9 =	smul.u32 $0xF7A, s1;
	s8 =	simm.s32 @!p0 $0x1BF5;
	p2 =	por !p2, p0  }
0x20: {  	[sflag:s8] =	ssyncset.s32 @!p0 $0xFFFFF086;
	s6 =	sadd.s32 @!p0 s3, s7;
	s7 =	simm.s32 @!p0 $0x108  }
0x21: {  	s3 =	sadd.s32 s3, s9;
	s6 =	sadd.s32 @!p0 $0x88, s6;
	s7 =	simm.s32 @p2 $0x1082  }
0x22: {  	[simem:s7], [sflag:s8] =	dma.local @!p0 [hbm:s6], $0xF7A  }
0x23: {  	s9 =	sor.u32 $0xD0000000, s2;
	s6 =	simm.s32 $0x108;
	_ =	swait.ge @!p0 [sflag:s8], $0x0  }
0x24: {  	s3 =	sadd.s32 $0x88, s3;
	s6 =	simm.s32 @!p1 $0x1082;
	[sflag:s4] =	ssyncset.s32 $0xFFFFF086  }
0x25: {  	[simem:s6], [sflag:s4] =	dma.local [hbm:s3], $0xF7A  }
0x26: {  	[smem:$0x3F9B] =	sst s1;
	(tag) =	ssettag s2;
	_ =	strace s9  }
0x27: {  	s1 =	sld [smem:$0x3FAB]  }
0x28: {  	s2 =	sld [smem:$0x3FAC]  }
0x29: {  	s4 =	sld [smem:$0x3FAE]  }
0x2a: {  	p0 =	seq.s32 s5, $0x0;
	s5 =	sld [smem:$0x3FAF]  }
0x2b: {  	s6 =	sld [smem:$0x3FB0]  }
0x2c: {  	s7 =	sld [smem:$0x3FB1]  }
0x2d: {  	s3 =	simm.s32 $0x108;
	s8 =	sld [smem:$0x3FB2]  }
0x2e: {  	s3 =	simm.s32 @!p0 $0x1082;
	s9 =	sld [smem:$0x3FB3]  }
0x2f: {  	lr =	sadd.s32 s0, s3;
	s0 =	sld [smem:$0x3FAA]  }
0x30: {  	s3 =	sld [smem:$0x3FAD]  }
0x31: {  	[smem:$0x3FB6] =	sst s10  }
0x32: {  	s10 =	sld [smem:$0x3FB4];
	_ =	sdelay $0x3  }
0x33: {  	p0 =	seq.s32 s10, $0x1;
	s10 =	sld [smem:$0x3FB6];
	_ =	sdelay $0x3  }
0x34: {  	[smem:$0x3FB6] =	sst s10  }
0x35: {  	s10 =	sld [smem:$0x3FB5];
	_ =	sdelay $0x3  }
0x36: {  	p1 =	seq.s32 s10, $0x1;
	s10 =	sld [smem:$0x3FB6];
	_ =	sdelay $0x3  }
0x37: {  	[smem:$0x3FB6] =	sst s10  }
0x38: {  	s10 =	sld [smem:$0x3FB7]  }
0x39: {  	_ = 	snop;
	(pc) =	sbr.ind lr, $3  }
0x3a: {  	_ = 	snop  }
0x3b: {  	_ = 	snop  }
0x3c: {  	p2 =	seq.s32 s10, $0x1;
	s10 =	sld [smem:$0x3FB6]  }
0x3d: {  	_ =	shalt  }
0x3e: {  	_ =	shalt  }
0x3f: {  	_ =	shalt  }
0x40: {  	_ =	shalt  }
0x41: {  	_ =	shalt  }
0x42: {  	_ =	shalt  }
0x43: {  	_ =	shalt  }
0x44: {  	_ =	shalt  }
0x45: {  	_ =	shalt  }
0x46: {  	_ =	shalt  }
0x47: {  	_ =	shalt  }
0x48: {  	_ =	shalt  }
0x49: {  	_ =	shalt  }
0x4a: {  	_ =	shalt  }
0x4b: {  	_ =	shalt  }
0x4c: {  	_ =	shalt  }
0x4d: {  	_ =	shalt  }
0x4e: {  	_ =	shalt  }
0x4f: {  	_ =	shalt  }
0x50: {  	_ =	shalt  }
0x51: {  	_ =	shalt  }
0x52: {  	_ =	shalt  }
0x53: {  	_ =	shalt  }
0x54: {  	_ =	shalt  }
0x55: {  	_ =	shalt  }
0x56: {  	_ =	shalt  }
0x57: {  	_ =	shalt  }
0x58: {  	_ =	shalt  }
0x59: {  	_ =	shalt  }
0x5a: {  	_ =	shalt  }
0x5b: {  	_ =	shalt  }
0x5c: {  	_ =	shalt  }
0x5d: {  	_ =	shalt  }
0x5e: {  	_ =	shalt  }
0x5f: {  	_ =	shalt  }
0x60: {  	_ =	shalt  }
0x61: {  	_ =	shalt  }
0x62: {  	_ =	shalt  }
0x63: {  	_ =	shalt  }
0x64: {  	_ =	shalt  }
0x65: {  	_ =	shalt  }
0x66: {  	_ =	shalt  }
0x67: {  	_ =	shalt  }
0x68: {  	_ =	shalt  }
0x69: {  	_ =	shalt  }
0x6a: {  	_ =	shalt  }
0x6b: {  	_ =	shalt  }
0x6c: {  	_ =	shalt  }
0x6d: {  	_ =	shalt  }
0x6e: {  	_ =	shalt  }
0x6f: {  	_ =	shalt  }
0x70: {  	_ =	shalt  }
0x71: {  	_ =	shalt  }
0x72: {  	_ =	shalt  }
0x73: {  	_ =	shalt  }
0x74: {  	_ =	shalt  }
0x75: {  	_ =	shalt  }
0x76: {  	_ =	shalt  }
0x77: {  	_ =	shalt  }
0x78: {  	_ =	shalt  }
0x79: {  	_ =	shalt  }
0x7a: {  	_ =	shalt  }
0x7b: {  	_ =	shalt  }
0x7c: {  	_ =	shalt  }
0x7d: {  	_ =	shalt  }
0x7e: {  	_ =	shalt  }
0x7f: {  	_ =	shalt  }
0x80: {  	_ =	shalt  }
0x81: {  	_ =	shalt  }
0x82: {  	_ =	shalt  }
0x83: {  	_ =	shalt  }
0x84: {  	_ =	shalt  }
0x85: {  	_ =	shalt  }
0x86: {  	_ =	shalt  }
0x87: {  	_ =	shalt  }
.Lfunc_end0:
.L_simem_size_0:
called_computation_lowered:
.L_overlay_start_0:
0x88: {  	s2 =	sld [smem:$0x3FD9]  }
0x89: {  	s3 =	sld [smem:$0x3FFE];
	_ =	sdelay $0x1  }
0x8a: {  	s1 =	srdreg.scid  }
0x8b: {  	s0 =	sand.u32 $0x1, s1  }
0x8c: {  	s17 =	sshll.u32 s0, $0xA;
	s2 =	sadd.s32 s3, s2  }
0x8d: {  	s2 =	sadd.s32 s2, s17  }
0x8e: {  	[smem:$0x3FC2] =	sst s2  }
0x8f: {  	_ = 	snop  }
0x90: {  	s2 =	sld [smem:$0x3FD0];
	(tm) =	ssettm $0x1  }
0x91: {  	s18 =	sld [smem:$0x3FFB];
	_ =	sdelay $0x3  }
0x92: {  	_ =	strace s18  }
0x93: {  	s3 =	sld [smem:$0x3FFC];
	_ =	sdelay $0x3  }
0x94: {  	_ =	strace s3  }
0x95: {  	s3 =	sld [smem:$0x3FFD];
	_ =	sdelay $0x3  }
0x96: {  	_ =	strace s3  }
0x97: {  	_ =	strace $0x8FFFFFFF  }
0x98: {  	s19 =	sld [smem:$0x3FDB];
	_ =	sdelay $0x1  }
0x99: {  	s4 =	simm.s32 $_scs_section_size  }
0x9a: {  	s5 =	simm.s32 $_size__tile_overlayer_lowered;
	s6 =	simm.s32 $_tile_overlayer_lowered  }
0x9b: {  	s22 =	simm.s32 $0x1BFF;
	s21 =	sshll.u32 s6, $0x1;
	s3 =	sadd.s32 s4, s19  }
0x9c: {  	s7 =	simm.s32 $0x0;
	s20 =	sshll.u32 s5, $0x1;
	s5 =	sadd.s32 s21, s3  }
0x9d: {  	[timem:s7], [sflag:s22] =	dma.local [hbm:s5], s20  }
0x9e: {  	_ =	swait.ge [sflag:s22], s20  }
0x9f: {  	s4 =	ssub.s32 $0x0, s20;
	[sflag:s22] =	ssyncset.done $0x0  }
0xa0: {  	[sflag:s22] =	ssyncadd.s32 s4;
	_ =	sdelay $0x1  }
0xa1: {  	s23 =	simm.s32 $0x1B8B  }
0xa2: {  	_ =	swait.ge [sflag:s23], $0x1  }
0xa3: {  	[sflag:s23] =	ssyncset.done $0x0  }
0xa4: {  	s25 =	simm.s32 $0x1B8E;
	s24 =	sld [smem:$0x3FFE];
	[sflag:s23] =	ssyncadd.s32 $0xFFFFFFFF  }
0xa5: {  	s26 =	simm.s32 $execute0_lowered;
	[smem:$0x3FD2] =	sst s25  }
0xa6: {  	s5 =	sshll.u32 s26, $0x1;
	_ =	strace $0x80000046;
	[dreg:$0x1] =	wrdreg $0xFFFFFFFF  }
0xa7: {  	s28 =	simm.s32 $_size_execute0_lowered;
	s3 =	sadd.s32 s3, s5;
	[dreg:$0x0] =	wrdreg $0x0  }
0xa8: {  	s5 =	sshll.u32 s28, $0x1;
	[dreg:$0x2] =	wrdreg s3  }
0xa9: {  	[dreg:$0x3] =	wrdreg s5  }
0xaa: {  	[dreg:$0x4] =	wrdreg $0xC0  }
0xab: {  	_ =	task [dreg:s7], $0x5FFFF  }
0xac: {  	[dreg:$0x1] =	wrdreg $0xFFFFFFFF  }
0xad: {  	[dreg:$0x0] =	wrdreg $0x60  }
0xae: {  	[dreg:$0x2] =	wrdreg s2  }
0xaf: {  	[dreg:$0x3] =	wrdreg s24  }
0xb0: {  	[dreg:$0x4] =	wrdreg $0x13C400  }
0xb1: {  	[dreg:$0x5] =	wrdreg $0x9  }
0xb2: {  	_ =	task.clear_ibuf [dreg:s7], $0x6FFFF;
	_ =	strace $0x90000046  }
0xb3: {  	s29 =	simm.s32 $0x9;
	_ =	strace $0x80000048  }
0xb4: {  	_ =	swait.ge [sflag:s29], $0x1  }
0xb5: {  	[sflag:s29] =	ssyncadd.s32 $0xFFFFFFFF  }
0xb6: {  	_ =	strace $0x90000048  }
0xb7: {  	_ =	sfence  }
0xb8: {  	s30 =	sld [smem:$0x0];
	_ =	sdelay $0x2  }
0xb9: {  	s31 =	sshll.u32 s1, $0xD;
	s1 =	sshrl.u32 s1, $0x2  }
0xba: {  	s3 =	sand.u32 $0x4000, s31;
	s1 =	sadd.s32 s1, s30  }
0xbb: {  	s0 =	sor.u32 s3, s0;
	s1 =	sshll.u32 s1, $0x11  }
0xbc: {  	s0 =	sor.u32 s1, s0  }
0xbd: {  	s0 =	sadd.s32 $0x8F2B, s0  }
0xbe: {  	[sflag:s0] =	ssyncadd.remote.s32 $0x1  }
0xbf: {  	_ =	sfence.sel $0xFFFF  }
0xc0: {  	[dreg:$0x0] =	wrdreg $0xFFFFFFFF;
	(pc) =	sbr.abs _section_cstart, $3  }
0xc1: {  	[dreg:$0x1] =	wrdreg $0xFFFFFFFF  }
0xc2: {  	_ =	task.clear_ibuf [dreg:s7], $0x2FFFF;
	_ =	strace $0x9FFFFFFF  }
0xc3: {  	(tm) =	ssettm $0x7FFFFFFF  }
tec
execute0_lowered:
.L_overlay_start_1:
0x0: {  	(tag) =	ssettag $0x1  }
0x1: {  	s7 =	rddreg [dreg:$0x0]  }
0x2: {  	s4 =	rddreg [dreg:$0x1];
	s0 =	stileid.u32  }
0x3: {  	s1 =	srdreg.scid;
	s2 =	rddreg [dreg:$0x2];
	s3 =	simm.s32 $0x0  }
0x4: {  	s14 =	simm.s32 $0x50;
	s15 =	simm.s32 $0xB;
	s16 =	simm.s32 $0xC  }
0x5: {  	s17 =	simm.s32 $0xD;
	s18 =	simm.s32 $0xE;
	s19 =	simm.s32 $0xF  }
0x6: {  	s20 =	simm.s32 $0x10;
	s21 =	simm.s32 $0x9;
	s22 =	simm.s32 $0xA  }
0x7: {  	s5 =	smul.u32 $0x9C4, s0;
	s8 =	sand.u32 $0x1, s1;
	s1 =	rddreg [dreg:$0x3]  }
0x8: {  	s23 =	simm.s32 $0x0;
	s6 =	smul.u32 $0x9C40, s0;
	[smem:$0x7FF] =	sst s3  }
0x9: {  	s12 =	sshll.u32 s0, $0x6;
	s9 =	smul.u32 $0x9C400, s8;
	_ =	strace $0x80000047  }
0xa: {  	s11 =	ssub.s32 $0x2, s8;
	s8 =	smul.u32 $0x13880, s8;
	s12 =	sor.u32 $0x1C11, s12  }
0xb: {  	s5 =	sadd.s32 s5, s4;
	s10 =	sshrl.u32 s6, $0x3;
	s31 =	sshrl.u32 s11, $0x1  }
0xc: {  	s13 =	sadd.s32 s6, s2;
	s9 =	sadd.s32 s6, s9;
	s10 =	sadd.s32 s10, s4  }
0xd: {  	s11 =	ssub.s32 s11, s31;
	s7 =	sadd.s32 s7, s8;
	s13 =	sshrl.u32 s13, $0x3  }
0xe: {  	s9 =	sshrl.u32 s9, $0x3;
	s6 =	sadd.s32 $0x62C00, s10;
	s10 =	simm.s32 $0x11  }
0xf: {  	s9 =	sadd.s32 s9, s4;
	s4 =	sadd.s32 $0xAC00, s5;
	s5 =	sadd.s32 $0xE00, s5  }
0x10: {  	s8 =	sadd.s32 $0x76600, s9;
	s9 =	smax.u32 s11, $0x1;
	s11 =	simm.s32 $0x4E20  }
.LBB2_1:
0x11: {  	[tilespmem:s3], [sflag:$0x11] =	stream.linear.gather [hbm4b:s4+s3], $0x4E20, $0x38;
	[tilespmem:$0x1D8C0] =	vst v63  }
0x12: {  	_ =	swait.ge [sflag:s10], $0x4E20  }
0x13: {  	[sflag:s10] =	ssyncset.done $0x0  }
0x14: {  	[sflag:s10] =	ssyncadd.s32 $0xFFFFB1E0  }
0x15: {  	[tilespmem:s11], [sflag:$0x11] =	stream.linear.gather [hbm4b:s5+s3], $0x4E20, $0x38;
	[tilespmem:$0x1D8C0] =	vst v63  }
0x16: {  	_ =	swait.ge [sflag:s10], $0x4E20  }
0x17: {  	[sflag:s10] =	ssyncset.done $0x0  }
0x18: {  	[sflag:s10] =	ssyncadd.s32 $0xFFFFB1E0  }
0x19: {  	[spmem:s13], [sflag:s12] =	dma.local [hbm:s6], $0x1388  }
0x1a: {  	_ =	swait.ge [sflag:s10], $0x1388  }
0x1b: {  	[sflag:s10] =	ssyncset.done $0x0  }
0x1c: {  	s24 =	simm.s32 $0x4BF0;
	[sflag:s10] =	ssyncadd.s32 $0xFFFFEC78  }
0x1d: {  	s25 =	simm.s32 $0x0;
	s26 =	simm.s32 $0x0;
	[bflag:$0x0] =	sbarrier.arrive $0xFFFF  }
.LBB2_2:
0x1e: {  	p0 =	sgt.u32 s26, $0xF9  }
0x1f: {  	p1 =	slt.u32 @!p0 s26, $0x8  }
0x20: {  	s28 =	sand.u32 $0x7, s26;
	p1 =	por p1, p0  }
0x21: {  	s29 =	sadd.s32 @!p1 $0x9, s28  }
0x22: {  	s30 =	smul.u32 @!p0 $0x5000, s28;
	_ =	swait.ge @!p1 [sflag:s29], $0x1400  }
0x23: {  	[sflag:s29] =	ssyncset.done @!p1 $0x0  }
0x24: {  	s28 =	sadd.s32 @!p0 $0x1, s28;
	[sflag:s29] =	ssyncadd.s32 @!p1 $0xFFFFEC00;
	s29 =	sshrl.u32 @!p0 s30, $0x2  }
0x25: {  	s30 =	simm.s32 @!p0 $0x50;
	p1 =	slt.u32 @!p0 s26, $0x7;
	s29 =	sadd.s32 @!p0 $0x9C40, s29  }
0x26: {  	[tilespmem:s29], [sflag:s28] =	stream.indirect.gather @!p0 [hbm4b:s7+s30], $0x40, s25, s30, $0xb8;
	[tilespmem:$0x1D8C0] =	vst v63  }
0x27: {  	s26 =	sadd.s32 $0x1, s26;
	p0 =	por p0, !p1  }
0x28: {  	s28 =	sand.u32 @p0 $0x7, s26  }
0x29: {  	s29 =	smul.u32 @p0 $0x5000, s28;
	s30 =	sadd.s32 @p0 $0x1, s28  }
0x2a: {  	_ =	swait.ge @p0 [sflag:s30], $0x1400  }
0x2b: {  	s29 =	sshrl.u32 @p0 s29, $0x2;
	[sflag:s30] =	ssyncset.done @p0 $0x0  }
0x2c: {  	s28 =	sadd.s32 @p0 $0x9, s28;
	s29 =	sadd.s32 @p0 $0x9C40, s29;
	[sflag:s30] =	ssyncadd.s32 @p0 $0xFFFFEC00  }
0x2d: {  	[spmem:s2] =	stream.indirect.scatter.add.f32 @p0 [tilespmem:s29], [sflag:s28], $0x40, s24, s14, $0xb8;
	[tilespmem:$0x1D8C0] =	vst v63  }
0x2e: {  	p0 =	sne.s32 s26, $0x101  }
.Ltmp0:
0x2f: {  	_ = 	snop;
	(pc) =	sbr.rel @p0 .LBB2_2-.Ltmp0, $2  }
0x30: {  	_ =	sdelay $0x2  }
0x31: {  	s25 =	sadd.s32 $0x50, s25;
	s24 =	sadd.s32 $0x50, s24  }
0x32: {  	_ =	swait.ge [sflag:s15], $0x1400  }
0x33: {  	[sflag:s15] =	ssyncset.done $0x0  }
0x34: {  	[sflag:s15] =	ssyncadd.s32 $0xFFFFEC00  }
0x35: {  	_ =	swait.ge [sflag:s16], $0x1400  }
0x36: {  	[sflag:s16] =	ssyncset.done $0x0  }
0x37: {  	[sflag:s16] =	ssyncadd.s32 $0xFFFFEC00  }
0x38: {  	_ =	swait.ge [sflag:s17], $0x1400  }
0x39: {  	[sflag:s17] =	ssyncset.done $0x0  }
0x3a: {  	[sflag:s17] =	ssyncadd.s32 $0xFFFFEC00  }
0x3b: {  	_ =	swait.ge [sflag:s18], $0x1400  }
0x3c: {  	[sflag:s18] =	ssyncset.done $0x0  }
0x3d: {  	[sflag:s18] =	ssyncadd.s32 $0xFFFFEC00  }
0x3e: {  	_ =	swait.ge [sflag:s19], $0x1400  }
0x3f: {  	[sflag:s19] =	ssyncset.done $0x0  }
0x40: {  	[sflag:s19] =	ssyncadd.s32 $0xFFFFEC00  }
0x41: {  	_ =	swait.ge [sflag:s20], $0x1400  }
0x42: {  	[sflag:s20] =	ssyncset.done $0x0  }
0x43: {  	[sflag:s20] =	ssyncadd.s32 $0xFFFFEC00  }
0x44: {  	_ =	swait.ge [sflag:s21], $0x1400  }
0x45: {  	[sflag:s21] =	ssyncset.done $0x0  }
0x46: {  	[sflag:s21] =	ssyncadd.s32 $0xFFFFEC00  }
0x47: {  	_ =	swait.ge [sflag:s22], $0x1400  }
0x48: {  	s23 =	sadd.s32 $0x1, s23;
	[sflag:s22] =	ssyncset.done $0x0  }
0x49: {  	p0 =	sne.s32 s23, s9;
	[sflag:s22] =	ssyncadd.s32 $0xFFFFEC00  }
.Ltmp1:
0x4a: {  	[bflag:$0x0] =	sbarrier.arrive $0xFFFF;
	(pc) =	sbr.rel @p0 .LBB2_1-.Ltmp1, $4  }
0x4b: {  	[hbm:s8], [sflag:s12] =	dma.local [spmem:s13], $0x1388  }
0x4c: {  	_ =	swait.ge [sflag:s10], $0x1388  }
0x4d: {  	[sflag:s10] =	ssyncset.done $0x0  }
0x4e: {  	[sflag:s10] =	ssyncadd.s32 $0xFFFFEC78  }
0x4f: {  	_ =	sfence.sel $0x180000  }
0x50: {  	[bflag:$0x0] =	sbarrier.arrive $0xFFFF  }
0x51: {  	p0 =	sne.s32 s0, $0x0;
	_ =	strace $0x90000047  }
0x52: {  	s0 =	sadd.s32 @!p0 $0x100000, s1;
	[bflag:$0x2] =	sbarrier.arrive $0xFFFF  }
0x53: {  	[sflag:s0] =	ssyncadd.tile.s32 @!p0 $0x1;
	_ =	shalt  }
.Lfunc_end2:
_tile_overlayer_lowered:
.L_overlay_start_2:
0x54: {  	(tag) =	ssettag $0x2  }
0x55: {  	s0 =	rddreg [dreg:$0x0];
	s2 =	stileid.u32  }
0x56: {  	s1 =	rddreg [dreg:$0x1];
	p0 =	sne.s32 s2, $0x0  }
0x57: {  	s3 =	rddreg [dreg:$0x2];
	[bflag:$0x3] =	sbarrier.arrive $0xFFFF;
	s2 =	simm.s32 @!p0 $0x1C11  }
0x58: {  	[timem:s3], [sflag:s2] =	dma.local @!p0 [hbm:s0], s1  }
0x59: {  	s0 =	simm.s32 @!p0 $0x11  }
0x5a: {  	_ =	swait.ge @!p0 [sflag:s0], s1  }
0x5b: {  	s1 =	ssub.s32 @!p0 $0x0, s1;
	[sflag:s0] =	ssyncset.done @!p0 $0x0  }
0x5c: {  	[sflag:s0] =	ssyncadd.s32 @!p0 s1  }
0x5d: {  	[bflag:$0x3] =	sbarrier.arrive $0xFFFF  }
0x5e: {  	_ =	shalt  }

</sc_bundles>
